<compile_context>
chip_gen: v7x
topology: tpu7x:2x2x1
jax: 0.10.2.dev20260603
libtpu: 0.0.44.dev20260713+nightly
codegen_flags: <defaults>
</compile_context>

<pallas_src>
import functools

import jax
import jax.numpy as jnp
from jax import lax
from jax.experimental import pallas as pl
from jax.experimental.pallas import tpu as pltpu
from jax.experimental.pallas import tpu_sc as plsc

B, L = 1024, 200
D_MCC, D_TR = 200, 100
D_OUT = D_MCC + D_TR + 1
D_PAD = 304
NC, NS, LN = 2, 16, 16
NW = NC * NS
RPW = B // NW
NFULL = L // LN
TAIL_OFF = L - LN
NWORD = L // 2
NWFULL = NWORD // LN
WTAIL_OFF = NWORD - LN

_mesh = plsc.VectorSubcoreMesh(
    core_axis_name="c", subcore_axis_name="s", num_cores=NC, num_subcores=NS
)


@functools.partial(
    pl.kernel,
    out_type=jax.ShapeDtypeStruct((B, D_OUT), jnp.float32),
    mesh=_mesh,
    compiler_params=pltpu.CompilerParams(needs_layout_passes=False),
    scratch_types=[
        pltpu.VMEM((RPW, L // 2), jnp.int32),
        pltpu.VMEM((RPW, L), jnp.float32),
        pltpu.VMEM((RPW,), jnp.int32),
        pltpu.VMEM((RPW, D_OUT), jnp.float32),
        pltpu.SemaphoreType.DMA,
    ],
)
def _trx_mean_encoder(codes_hbm, amt_hbm, len_hbm, out_hbm,
                      codes_v, amt_v, len_v, out_v, sem):
    wid = lax.axis_index("s") * NC + lax.axis_index("c")
    base = wid * RPW

    cps = [
        pltpu.async_copy(codes_hbm.at[pl.ds(base, RPW), :], codes_v, sem),
        pltpu.async_copy(amt_hbm.at[pl.ds(base, RPW), :], amt_v, sem),
        pltpu.async_copy(len_hbm.at[pl.ds(base, RPW)], len_v, sem),
    ]
    for cp in cps:
        cp.wait()

    iota = lax.iota(jnp.int32, LN)
    inv_l = jnp.full((LN,), 1.0 / L, jnp.float32)
    zeros = jnp.zeros((LN,), jnp.float32)
    nzc = -(-D_OUT // LN)

    tail_mask = iota >= (LN - (L - NFULL * LN))
    wtail_mask = iota >= (LN - (NWORD - NWFULL * LN))

    @plsc.parallel_loop(0, RPW, unroll=4)
    def row_body(r):
        r_vec = jnp.broadcast_to(r, (LN,))
        for z in range(nzc):
            out_v[r, pl.ds(min(z * LN, D_OUT - LN), LN)] = zeros
        lenc = jnp.maximum(plsc.load_gather(len_v, [r_vec]), 1)
        for c in range(NWFULL + 1):
            woff = c * LN if c < NWFULL else WTAIL_OFF
            hmask = None if c < NWFULL else wtail_mask
            w = codes_v[r, pl.ds(woff, LN)]
            m0 = w & 0xFF
            t0 = lax.shift_right_logical(w, 8) & 0xFF
            m1 = lax.shift_right_logical(w, 16) & 0xFF
            t1 = lax.shift_right_logical(w, 24)
            plsc.addupdate_scatter(out_v, [r_vec, m0], inv_l, mask=hmask)
            plsc.addupdate_scatter(out_v, [r_vec, t0 + D_MCC], inv_l,
                                   mask=hmask)
            plsc.addupdate_scatter(out_v, [r_vec, m1], inv_l, mask=hmask)
            plsc.addupdate_scatter(out_v, [r_vec, t1 + D_MCC], inv_l,
                                   mask=hmask)
        acc = zeros
        for c in range(NFULL + 1):
            off = c * LN if c < NFULL else TAIL_OFF
            pos = off + iota
            amt_c = amt_v[r, pl.ds(off, LN)]
            amask = pos < lenc
            if c == NFULL:
                amask = amask & tail_mask
            acc = acc + jnp.where(amask, amt_c, 0.0)
        mean_vec = plsc.cumsum(acc) / lenc.astype(jnp.float32)
        plsc.addupdate_scatter(out_v, [r_vec, jnp.full((LN,), D_OUT - 1,
                                                       jnp.int32)],
                               mean_vec, mask=iota == LN - 1)
    pltpu.sync_copy(out_v, out_hbm.at[pl.ds(base, RPW), :])


def kernel(mcc_code, tr_type, amount, seq_lens, emb_mcc, emb_tr):
    mcc32 = mcc_code.astype(jnp.int32)
    tr32 = tr_type.astype(jnp.int32)
    codes = (mcc32[:, 0::2] | (tr32[:, 0::2] << 8)
             | (mcc32[:, 1::2] << 16) | (tr32[:, 1::2] << 24))
    return _trx_mean_encoder(
        codes,
        amount.astype(jnp.float32),
        seq_lens.astype(jnp.int32),
    )

# --- scband reference (transcript-rebuilt; emitter-appended) ---
"""Pipeline reference for scband-trx-mean-encoder-69681549410810 (READ-ONLY COPY).

The authoritative reference and input builder live on the scoring server;
editing this copy changes nothing except your own understanding.
"""

import jax, jax.numpy as jnp
import numpy as np

B, L = 1024, 200
D_MCC, D_TR = 200, 100


def setup_inputs(seed: int = 0) -> dict:
    key = jax.random.key(seed)
    k1, k2, k3, k4 = jax.random.split(key, 4)
    mcc_code = jax.random.randint(k1, (B, L), 0, D_MCC)
    tr_type = jax.random.randint(k2, (B, L), 0, D_TR)
    amount = jax.random.normal(k3, (B, L), dtype=jnp.float32)
    seq_lens = jax.random.randint(k4, (B,), 0, L)
    # learned params: identity EmbeddingBag weights per module __init__
    emb_mcc = jnp.eye(D_MCC, dtype=jnp.float32)
    emb_tr = jnp.eye(D_TR, dtype=jnp.float32)
    return {"mcc_code": mcc_code, "tr_type": tr_type, "amount": amount,
            "seq_lens": seq_lens, "emb_mcc": emb_mcc, "emb_tr": emb_tr}


def reference(mcc_code, tr_type, amount, seq_lens, emb_mcc, emb_tr):
    # nn.EmbeddingBag(dict_len, dict_len, mode='mean') with identity weight:
    # gather rows then mean over the sequence dim. Torch .detach() -> stop_gradient.
    p1 = jax.lax.stop_gradient(jnp.take(emb_mcc, mcc_code, axis=0).mean(axis=1))
    p2 = jax.lax.stop_gradient(jnp.take(emb_tr, tr_type, axis=0).mean(axis=1))
    # numeric scaler 'identity': var = x.unsqueeze(-1).float()
    var = amount[:, :, None].astype(jnp.float32)
    Lseq = var.shape[1]
    lens = jnp.maximum(seq_lens, 1)  # guard against zero-length sequences
    mask = (jnp.arange(Lseq)[None, :] < lens[:, None]).astype(jnp.float32)
    # torch builds means via torch.tensor([e[:l].mean() ...]) -> detached constant
    means = (var[:, :, 0] * mask).sum(axis=1) / lens.astype(jnp.float32)
    means = jax.lax.stop_gradient(means)[:, None]
    return jnp.concatenate([p1, p2, means], axis=-1)

if __name__ == "__main__":
    import jax
    _d = setup_inputs()
    print(jax.jit(kernel)(*tuple(_d.values())))

</pallas_src>

<mosaic_0001>
#map = affine_map<(d0, d1) -> (0, 0)>
#map1 = affine_map<(d0, d1) -> (0)>
module attributes {stable_mosaic.version = 14 : i64} {
  func.func @_trx_mean_encoder(%arg0: i32, %arg1: i32, %arg2: memref<1024x100xi32, #tpu.memory_space<hbm>>, %arg3: memref<1024x200xf32, #tpu.memory_space<hbm>>, %arg4: memref<1024xi32, #tpu.memory_space<hbm>>, %arg5: memref<1024x301xf32, #tpu.memory_space<hbm>>, %arg6: memref<32x100xi32, #tpu.memory_space<vmem>>, %arg7: memref<32x200xf32, #tpu.memory_space<vmem>>, %arg8: memref<32xi32, #tpu.memory_space<vmem>>, %arg9: memref<32x301xf32, #tpu.memory_space<vmem>>, %arg10: memref<!tpu.dma_semaphore, #tpu.memory_space<semaphore_mem>>) attributes {dimension_semantics = [#tpu.dimension_semantics<core_parallel>, #tpu.dimension_semantics<subcore_parallel>], iteration_bounds = array<i64: 2, 16>, scalar_prefetch = 0 : i64, scratch_operands = 5 : i64, tpu.core_type = #tpu.core_type<sc_vector_subcore>, window_params = [{transform_indices = #map}, {transform_indices = #map}, {transform_indices = #map1}, {transform_indices = #map}]} {
    %mul3A = arith.constant 2 : i32
    %mul3A_0 = arith.muli %arg1, %mul3A : i32
    %add3A = arith.addi %mul3A_0, %arg0 : i32
    %mul3A_1 = arith.constant 32 : i32
    %mul3A_2 = arith.muli %add3A, %mul3A_1 : i32
    %dma_start3A = arith.constant 0 : i32
    %dma_start3A_3 = tpu.memref_slice %arg2[%mul3A_2, %dma_start3A] : memref<1024x100xi32, #tpu.memory_space<hbm>> -> memref<32x100xi32, #tpu.memory_space<hbm>>
    %dma_start3A_4 = arith.constant 0 : i32
    %dma_start3A_5 = tpu.memref_slice %arg2[%mul3A_2, %dma_start3A_4] : memref<1024x100xi32, #tpu.memory_space<hbm>> -> memref<32x100xi32, #tpu.memory_space<hbm>>
    tpu.enqueue_dma source(%dma_start3A_5 : memref<32x100xi32, #tpu.memory_space<hbm>>) target(%arg6 : memref<32x100xi32, #tpu.memory_space<vmem>>) target_semaphore(%arg10 : memref<!tpu.dma_semaphore, #tpu.memory_space<semaphore_mem>>)
    %dma_start3A_6 = arith.constant 0 : i32
    %dma_start3A_7 = tpu.memref_slice %arg3[%mul3A_2, %dma_start3A_6] : memref<1024x200xf32, #tpu.memory_space<hbm>> -> memref<32x200xf32, #tpu.memory_space<hbm>>
    %dma_start3A_8 = arith.constant 0 : i32
    %dma_start3A_9 = tpu.memref_slice %arg3[%mul3A_2, %dma_start3A_8] : memref<1024x200xf32, #tpu.memory_space<hbm>> -> memref<32x200xf32, #tpu.memory_space<hbm>>
    tpu.enqueue_dma source(%dma_start3A_9 : memref<32x200xf32, #tpu.memory_space<hbm>>) target(%arg7 : memref<32x200xf32, #tpu.memory_space<vmem>>) target_semaphore(%arg10 : memref<!tpu.dma_semaphore, #tpu.memory_space<semaphore_mem>>)
    %dma_start3A_10 = tpu.memref_slice %arg4[%mul3A_2] : memref<1024xi32, #tpu.memory_space<hbm>> -> memref<32xi32, #tpu.memory_space<hbm>>
    %dma_start3A_11 = tpu.memref_slice %arg4[%mul3A_2] : memref<1024xi32, #tpu.memory_space<hbm>> -> memref<32xi32, #tpu.memory_space<hbm>>
    tpu.enqueue_dma source(%dma_start3A_11 : memref<32xi32, #tpu.memory_space<hbm>>) target(%arg8 : memref<32xi32, #tpu.memory_space<vmem>>) target_semaphore(%arg10 : memref<!tpu.dma_semaphore, #tpu.memory_space<semaphore_mem>>)
    %dma_wait3A = arith.constant 0 : i32
    %dma_wait3A_12 = tpu.memref_slice %arg2[%mul3A_2, %dma_wait3A] : memref<1024x100xi32, #tpu.memory_space<hbm>> -> memref<32x100xi32, #tpu.memory_space<hbm>>
    %dma_wait3A_13 = arith.constant 0 : i32
    %dma_wait3A_14 = tpu.memref_slice %arg2[%mul3A_2, %dma_wait3A_13] : memref<1024x100xi32, #tpu.memory_space<hbm>> -> memref<32x100xi32, #tpu.memory_space<hbm>>
    tpu.wait_dma2 semaphore(%arg10 : memref<!tpu.dma_semaphore, #tpu.memory_space<semaphore_mem>>) src(%dma_wait3A_14 : memref<32x100xi32, #tpu.memory_space<hbm>>) dst(%arg6 : memref<32x100xi32, #tpu.memory_space<vmem>>)
    %dma_wait3A_15 = arith.constant 0 : i32
    %dma_wait3A_16 = tpu.memref_slice %arg3[%mul3A_2, %dma_wait3A_15] : memref<1024x200xf32, #tpu.memory_space<hbm>> -> memref<32x200xf32, #tpu.memory_space<hbm>>
    %dma_wait3A_17 = arith.constant 0 : i32
    %dma_wait3A_18 = tpu.memref_slice %arg3[%mul3A_2, %dma_wait3A_17] : memref<1024x200xf32, #tpu.memory_space<hbm>> -> memref<32x200xf32, #tpu.memory_space<hbm>>
    tpu.wait_dma2 semaphore(%arg10 : memref<!tpu.dma_semaphore, #tpu.memory_space<semaphore_mem>>) src(%dma_wait3A_18 : memref<32x200xf32, #tpu.memory_space<hbm>>) dst(%arg7 : memref<32x200xf32, #tpu.memory_space<vmem>>)
    %dma_wait3A_19 = tpu.memref_slice %arg4[%mul3A_2] : memref<1024xi32, #tpu.memory_space<hbm>> -> memref<32xi32, #tpu.memory_space<hbm>>
    %dma_wait3A_20 = tpu.memref_slice %arg4[%mul3A_2] : memref<1024xi32, #tpu.memory_space<hbm>> -> memref<32xi32, #tpu.memory_space<hbm>>
    tpu.wait_dma2 semaphore(%arg10 : memref<!tpu.dma_semaphore, #tpu.memory_space<semaphore_mem>>) src(%dma_wait3A_20 : memref<32xi32, #tpu.memory_space<hbm>>) dst(%arg8 : memref<32xi32, #tpu.memory_space<vmem>>)
    %iota3A = tpu.iota {dimensions = array<i32: 0>} : vector<16xi32>
    %broadcast_in_dim3A = arith.constant 5.000000e-03 : f32
    %broadcast_in_dim3A_21 = vector.broadcast %broadcast_in_dim3A : f32 to vector<16xf32>
    %broadcast_in_dim3A_22 = arith.constant 0.000000e+00 : f32
    %broadcast_in_dim3A_23 = vector.broadcast %broadcast_in_dim3A_22 : f32 to vector<16xf32>
    %ge3A = arith.constant 8 : i32
    %ge3A_24 = vector.broadcast %ge3A : i32 to vector<16xi32>
    %ge3A_25 = arith.cmpi sge, %iota3A, %ge3A_24 : vector<16xi32>
    %ge3A_26 = arith.constant 12 : i32
    %ge3A_27 = vector.broadcast %ge3A_26 : i32 to vector<16xi32>
    %ge3A_28 = arith.cmpi sge, %iota3A, %ge3A_27 : vector<16xi32>
    %parallel_loop3A = arith.constant 0 : i32
    %parallel_loop3A_29 = arith.constant 32 : i32
    %parallel_loop3A_30 = arith.constant 1 : i32
    scf.for %parallel_loop3A_31 = %parallel_loop3A to %parallel_loop3A_29 step %parallel_loop3A_30  : i32 {
      %parallel_loop3A_32 = vector.broadcast %parallel_loop3A_31 : i32 to vector<16xi32>
      %parallel_loop3A_33 = arith.index_cast %parallel_loop3A_31 : i32 to index
      %parallel_loop3A_34 = arith.constant 0 : index
      %parallel_loop3A_35 = tpu.vector_load %arg9[%parallel_loop3A_33, %parallel_loop3A_34] {strides = array<i32>} : memref<32x301xf32, #tpu.memory_space<vmem>>, vector<16xf32>,
      tpu.vector_store %arg9[%parallel_loop3A_33, %parallel_loop3A_34], %broadcast_in_dim3A_23 {strides = array<i32>} : memref<32x301xf32, #tpu.memory_space<vmem>>, vector<16xf32>,
      %parallel_loop3A_36 = arith.index_cast %parallel_loop3A_31 : i32 to index
      %parallel_loop3A_37 = arith.constant 16 : index
      %parallel_loop3A_38 = tpu.vector_load %arg9[%parallel_loop3A_36, %parallel_loop3A_37] {strides = array<i32>} : memref<32x301xf32, #tpu.memory_space<vmem>>, vector<16xf32>,
      tpu.vector_store %arg9[%parallel_loop3A_36, %parallel_loop3A_37], %broadcast_in_dim3A_23 {strides = array<i32>} : memref<32x301xf32, #tpu.memory_space<vmem>>, vector<16xf32>,
      %parallel_loop3A_39 = arith.index_cast %parallel_loop3A_31 : i32 to index
      %parallel_loop3A_40 = arith.constant 32 : index
      %parallel_loop3A_41 = tpu.vector_load %arg9[%parallel_loop3A_39, %parallel_loop3A_40] {strides = array<i32>} : memref<32x301xf32, #tpu.memory_space<vmem>>, vector<16xf32>,
      tpu.vector_store %arg9[%parallel_loop3A_39, %parallel_loop3A_40], %broadcast_in_dim3A_23 {strides = array<i32>} : memref<32x301xf32, #tpu.memory_space<vmem>>, vector<16xf32>,
      %parallel_loop3A_42 = arith.index_cast %parallel_loop3A_31 : i32 to index
      %parallel_loop3A_43 = arith.constant 48 : index
      %parallel_loop3A_44 = tpu.vector_load %arg9[%parallel_loop3A_42, %parallel_loop3A_43] {strides = array<i32>} : memref<32x301xf32, #tpu.memory_space<vmem>>, vector<16xf32>,
      tpu.vector_store %arg9[%parallel_loop3A_42, %parallel_loop3A_43], %broadcast_in_dim3A_23 {strides = array<i32>} : memref<32x301xf32, #tpu.memory_space<vmem>>, vector<16xf32>,
      %parallel_loop3A_45 = arith.index_cast %parallel_loop3A_31 : i32 to index
      %parallel_loop3A_46 = arith.constant 64 : index
      %parallel_loop3A_47 = tpu.vector_load %arg9[%parallel_loop3A_45, %parallel_loop3A_46] {strides = array<i32>} : memref<32x301xf32, #tpu.memory_space<vmem>>, vector<16xf32>,
      tpu.vector_store %arg9[%parallel_loop3A_45, %parallel_loop3A_46], %broadcast_in_dim3A_23 {strides = array<i32>} : memref<32x301xf32, #tpu.memory_space<vmem>>, vector<16xf32>,
      %parallel_loop3A_48 = arith.index_cast %parallel_loop3A_31 : i32 to index
      %parallel_loop3A_49 = arith.constant 80 : index
      %parallel_loop3A_50 = tpu.vector_load %arg9[%parallel_loop3A_48, %parallel_loop3A_49] {strides = array<i32>} : memref<32x301xf32, #tpu.memory_space<vmem>>, vector<16xf32>,
      tpu.vector_store %arg9[%parallel_loop3A_48, %parallel_loop3A_49], %broadcast_in_dim3A_23 {strides = array<i32>} : memref<32x301xf32, #tpu.memory_space<vmem>>, vector<16xf32>,
      %parallel_loop3A_51 = arith.index_cast %parallel_loop3A_31 : i32 to index
      %parallel_loop3A_52 = arith.constant 96 : index
      %parallel_loop3A_53 = tpu.vector_load %arg9[%parallel_loop3A_51, %parallel_loop3A_52] {strides = array<i32>} : memref<32x301xf32, #tpu.memory_space<vmem>>, vector<16xf32>,
      tpu.vector_store %arg9[%parallel_loop3A_51, %parallel_loop3A_52], %broadcast_in_dim3A_23 {strides = array<i32>} : memref<32x301xf32, #tpu.memory_space<vmem>>, vector<16xf32>,
      %parallel_loop3A_54 = arith.index_cast %parallel_loop3A_31 : i32 to index
      %parallel_loop3A_55 = arith.constant 112 : index
      %parallel_loop3A_56 = tpu.vector_load %arg9[%parallel_loop3A_54, %parallel_loop3A_55] {strides = array<i32>} : memref<32x301xf32, #tpu.memory_space<vmem>>, vector<16xf32>,
      tpu.vector_store %arg9[%parallel_loop3A_54, %parallel_loop3A_55], %broadcast_in_dim3A_23 {strides = array<i32>} : memref<32x301xf32, #tpu.memory_space<vmem>>, vector<16xf32>,
      %parallel_loop3A_57 = arith.index_cast %parallel_loop3A_31 : i32 to index
      %parallel_loop3A_58 = arith.constant 128 : index
      %parallel_loop3A_59 = tpu.vector_load %arg9[%parallel_loop3A_57, %parallel_loop3A_58] {strides = array<i32>} : memref<32x301xf32, #tpu.memory_space<vmem>>, vector<16xf32>,
      tpu.vector_store %arg9[%parallel_loop3A_57, %parallel_loop3A_58], %broadcast_in_dim3A_23 {strides = array<i32>} : memref<32x301xf32, #tpu.memory_space<vmem>>, vector<16xf32>,
      %parallel_loop3A_60 = arith.index_cast %parallel_loop3A_31 : i32 to index
      %parallel_loop3A_61 = arith.constant 144 : index
      %parallel_loop3A_62 = tpu.vector_load %arg9[%parallel_loop3A_60, %parallel_loop3A_61] {strides = array<i32>} : memref<32x301xf32, #tpu.memory_space<vmem>>, vector<16xf32>,
      tpu.vector_store %arg9[%parallel_loop3A_60, %parallel_loop3A_61], %broadcast_in_dim3A_23 {strides = array<i32>} : memref<32x301xf32, #tpu.memory_space<vmem>>, vector<16xf32>,
      %parallel_loop3A_63 = arith.index_cast %parallel_loop3A_31 : i32 to index
      %parallel_loop3A_64 = arith.constant 160 : index
      %parallel_loop3A_65 = tpu.vector_load %arg9[%parallel_loop3A_63, %parallel_loop3A_64] {strides = array<i32>} : memref<32x301xf32, #tpu.memory_space<vmem>>, vector<16xf32>,
      tpu.vector_store %arg9[%parallel_loop3A_63, %parallel_loop3A_64], %broadcast_in_dim3A_23 {strides = array<i32>} : memref<32x301xf32, #tpu.memory_space<vmem>>, vector<16xf32>,
      %parallel_loop3A_66 = arith.index_cast %parallel_loop3A_31 : i32 to index
      %parallel_loop3A_67 = arith.constant 176 : index
      %parallel_loop3A_68 = tpu.vector_load %arg9[%parallel_loop3A_66, %parallel_loop3A_67] {strides = array<i32>} : memref<32x301xf32, #tpu.memory_space<vmem>>, vector<16xf32>,
      tpu.vector_store %arg9[%parallel_loop3A_66, %parallel_loop3A_67], %broadcast_in_dim3A_23 {strides = array<i32>} : memref<32x301xf32, #tpu.memory_space<vmem>>, vector<16xf32>,
      %parallel_loop3A_69 = arith.index_cast %parallel_loop3A_31 : i32 to index
      %parallel_loop3A_70 = arith.constant 192 : index
      %parallel_loop3A_71 = tpu.vector_load %arg9[%parallel_loop3A_69, %parallel_loop3A_70] {strides = array<i32>} : memref<32x301xf32, #tpu.memory_space<vmem>>, vector<16xf32>,
      tpu.vector_store %arg9[%parallel_loop3A_69, %parallel_loop3A_70], %broadcast_in_dim3A_23 {strides = array<i32>} : memref<32x301xf32, #tpu.memory_space<vmem>>, vector<16xf32>,
      %parallel_loop3A_72 = arith.index_cast %parallel_loop3A_31 : i32 to index
      %parallel_loop3A_73 = arith.constant 208 : index
      %parallel_loop3A_74 = tpu.vector_load %arg9[%parallel_loop3A_72, %parallel_loop3A_73] {strides = array<i32>} : memref<32x301xf32, #tpu.memory_space<vmem>>, vector<16xf32>,
      tpu.vector_store %arg9[%parallel_loop3A_72, %parallel_loop3A_73], %broadcast_in_dim3A_23 {strides = array<i32>} : memref<32x301xf32, #tpu.memory_space<vmem>>, vector<16xf32>,
      %parallel_loop3A_75 = arith.index_cast %parallel_loop3A_31 : i32 to index
      %parallel_loop3A_76 = arith.constant 224 : index
      %parallel_loop3A_77 = tpu.vector_load %arg9[%parallel_loop3A_75, %parallel_loop3A_76] {strides = array<i32>} : memref<32x301xf32, #tpu.memory_space<vmem>>, vector<16xf32>,
      tpu.vector_store %arg9[%parallel_loop3A_75, %parallel_loop3A_76], %broadcast_in_dim3A_23 {strides = array<i32>} : memref<32x301xf32, #tpu.memory_space<vmem>>, vector<16xf32>,
      %parallel_loop3A_78 = arith.index_cast %parallel_loop3A_31 : i32 to index
      %parallel_loop3A_79 = arith.constant 240 : index
      %parallel_loop3A_80 = tpu.vector_load %arg9[%parallel_loop3A_78, %parallel_loop3A_79] {strides = array<i32>} : memref<32x301xf32, #tpu.memory_space<vmem>>, vector<16xf32>,
      tpu.vector_store %arg9[%parallel_loop3A_78, %parallel_loop3A_79], %broadcast_in_dim3A_23 {strides = array<i32>} : memref<32x301xf32, #tpu.memory_space<vmem>>, vector<16xf32>,
      %parallel_loop3A_81 = arith.index_cast %parallel_loop3A_31 : i32 to index
      %parallel_loop3A_82 = arith.constant 256 : index
      %parallel_loop3A_83 = tpu.vector_load %arg9[%parallel_loop3A_81, %parallel_loop3A_82] {strides = array<i32>} : memref<32x301xf32, #tpu.memory_space<vmem>>, vector<16xf32>,
      tpu.vector_store %arg9[%parallel_loop3A_81, %parallel_loop3A_82], %broadcast_in_dim3A_23 {strides = array<i32>} : memref<32x301xf32, #tpu.memory_space<vmem>>, vector<16xf32>,
      %parallel_loop3A_84 = arith.index_cast %parallel_loop3A_31 : i32 to index
      %parallel_loop3A_85 = arith.constant 272 : index
      %parallel_loop3A_86 = tpu.vector_load %arg9[%parallel_loop3A_84, %parallel_loop3A_85] {strides = array<i32>} : memref<32x301xf32, #tpu.memory_space<vmem>>, vector<16xf32>,
      tpu.vector_store %arg9[%parallel_loop3A_84, %parallel_loop3A_85], %broadcast_in_dim3A_23 {strides = array<i32>} : memref<32x301xf32, #tpu.memory_space<vmem>>, vector<16xf32>,
      %parallel_loop3A_87 = arith.index_cast %parallel_loop3A_31 : i32 to index
      %parallel_loop3A_88 = arith.constant 285 : index
      %parallel_loop3A_89 = tpu.vector_load %arg9[%parallel_loop3A_87, %parallel_loop3A_88] {strides = array<i32>} : memref<32x301xf32, #tpu.memory_space<vmem>>, vector<16xf32>,
      tpu.vector_store %arg9[%parallel_loop3A_87, %parallel_loop3A_88], %broadcast_in_dim3A_23 {strides = array<i32>} : memref<32x301xf32, #tpu.memory_space<vmem>>, vector<16xf32>,
      %parallel_loop3A_90 = tpu.vector_load_idx %arg8[%parallel_loop3A_32] : memref<32xi32, #tpu.memory_space<vmem>>[vector<16xi32>], vector<16xi32>,
      %parallel_loop3A_91 = arith.constant 1 : i32
      %parallel_loop3A_92 = vector.broadcast %parallel_loop3A_91 : i32 to vector<16xi32>
      %parallel_loop3A_93 = arith.maxsi %parallel_loop3A_90, %parallel_loop3A_92 : vector<16xi32>
      %parallel_loop3A_94 = arith.index_cast %parallel_loop3A_31 : i32 to index
      %parallel_loop3A_95 = arith.constant 0 : index
      %parallel_loop3A_96 = tpu.vector_load %arg6[%parallel_loop3A_94, %parallel_loop3A_95] {strides = array<i32>} : memref<32x100xi32, #tpu.memory_space<vmem>>, vector<16xi32>,
      %parallel_loop3A_97 = arith.constant 255 : i32
      %parallel_loop3A_98 = vector.broadcast %parallel_loop3A_97 : i32 to vector<16xi32>
      %parallel_loop3A_99 = arith.andi %parallel_loop3A_96, %parallel_loop3A_98 : vector<16xi32>
      %parallel_loop3A_100 = arith.constant 8 : i32
      %parallel_loop3A_101 = vector.broadcast %parallel_loop3A_100 : i32 to vector<16xi32>
      %parallel_loop3A_102 = arith.shrui %parallel_loop3A_96, %parallel_loop3A_101 : vector<16xi32>
      %parallel_loop3A_103 = arith.constant 255 : i32
      %parallel_loop3A_104 = vector.broadcast %parallel_loop3A_103 : i32 to vector<16xi32>
      %parallel_loop3A_105 = arith.andi %parallel_loop3A_102, %parallel_loop3A_104 : vector<16xi32>
      %parallel_loop3A_106 = arith.constant 16 : i32
      %parallel_loop3A_107 = vector.broadcast %parallel_loop3A_106 : i32 to vector<16xi32>
      %parallel_loop3A_108 = arith.shrui %parallel_loop3A_96, %parallel_loop3A_107 : vector<16xi32>
      %parallel_loop3A_109 = arith.constant 255 : i32
      %parallel_loop3A_110 = vector.broadcast %parallel_loop3A_109 : i32 to vector<16xi32>
      %parallel_loop3A_111 = arith.andi %parallel_loop3A_108, %parallel_loop3A_110 : vector<16xi32>
      %parallel_loop3A_112 = arith.constant 24 : i32
      %parallel_loop3A_113 = vector.broadcast %parallel_loop3A_112 : i32 to vector<16xi32>
      %parallel_loop3A_114 = arith.shrui %parallel_loop3A_96, %parallel_loop3A_113 : vector<16xi32>
      tpu.vector_store_idx %arg9[%parallel_loop3A_32, %parallel_loop3A_99], %broadcast_in_dim3A_21 {add = true} : memref<32x301xf32, #tpu.memory_space<vmem>>[vector<16xi32>, vector<16xi32>], vector<16xf32>,
      %parallel_loop3A_115 = arith.constant 200 : i32
      %parallel_loop3A_116 = vector.broadcast %parallel_loop3A_115 : i32 to vector<16xi32>
      %parallel_loop3A_117 = arith.addi %parallel_loop3A_105, %parallel_loop3A_116 : vector<16xi32>
      tpu.vector_store_idx %arg9[%parallel_loop3A_32, %parallel_loop3A_117], %broadcast_in_dim3A_21 {add = true} : memref<32x301xf32, #tpu.memory_space<vmem>>[vector<16xi32>, vector<16xi32>], vector<16xf32>,
      tpu.vector_store_idx %arg9[%parallel_loop3A_32, %parallel_loop3A_111], %broadcast_in_dim3A_21 {add = true} : memref<32x301xf32, #tpu.memory_space<vmem>>[vector<16xi32>, vector<16xi32>], vector<16xf32>,
      %parallel_loop3A_118 = arith.constant 200 : i32
      %parallel_loop3A_119 = vector.broadcast %parallel_loop3A_118 : i32 to vector<16xi32>
      %parallel_loop3A_120 = arith.addi %parallel_loop3A_114, %parallel_loop3A_119 : vector<16xi32>
      tpu.vector_store_idx %arg9[%parallel_loop3A_32, %parallel_loop3A_120], %broadcast_in_dim3A_21 {add = true} : memref<32x301xf32, #tpu.memory_space<vmem>>[vector<16xi32>, vector<16xi32>], vector<16xf32>,
      %parallel_loop3A_121 = arith.index_cast %parallel_loop3A_31 : i32 to index
      %parallel_loop3A_122 = arith.constant 16 : index
      %parallel_loop3A_123 = tpu.vector_load %arg6[%parallel_loop3A_121, %parallel_loop3A_122] {strides = array<i32>} : memref<32x100xi32, #tpu.memory_space<vmem>>, vector<16xi32>,
      %parallel_loop3A_124 = arith.constant 255 : i32
      %parallel_loop3A_125 = vector.broadcast %parallel_loop3A_124 : i32 to vector<16xi32>
      %parallel_loop3A_126 = arith.andi %parallel_loop3A_123, %parallel_loop3A_125 : vector<16xi32>
      %parallel_loop3A_127 = arith.constant 8 : i32
      %parallel_loop3A_128 = vector.broadcast %parallel_loop3A_127 : i32 to vector<16xi32>
      %parallel_loop3A_129 = arith.shrui %parallel_loop3A_123, %parallel_loop3A_128 : vector<16xi32>
      %parallel_loop3A_130 = arith.constant 255 : i32
      %parallel_loop3A_131 = vector.broadcast %parallel_loop3A_130 : i32 to vector<16xi32>
      %parallel_loop3A_132 = arith.andi %parallel_loop3A_129, %parallel_loop3A_131 : vector<16xi32>
      %parallel_loop3A_133 = arith.constant 16 : i32
      %parallel_loop3A_134 = vector.broadcast %parallel_loop3A_133 : i32 to vector<16xi32>
      %parallel_loop3A_135 = arith.shrui %parallel_loop3A_123, %parallel_loop3A_134 : vector<16xi32>
      %parallel_loop3A_136 = arith.constant 255 : i32
      %parallel_loop3A_137 = vector.broadcast %parallel_loop3A_136 : i32 to vector<16xi32>
      %parallel_loop3A_138 = arith.andi %parallel_loop3A_135, %parallel_loop3A_137 : vector<16xi32>
      %parallel_loop3A_139 = arith.constant 24 : i32
      %parallel_loop3A_140 = vector.broadcast %parallel_loop3A_139 : i32 to vector<16xi32>
      %parallel_loop3A_141 = arith.shrui %parallel_loop3A_123, %parallel_loop3A_140 : vector<16xi32>
      tpu.vector_store_idx %arg9[%parallel_loop3A_32, %parallel_loop3A_126], %broadcast_in_dim3A_21 {add = true} : memref<32x301xf32, #tpu.memory_space<vmem>>[vector<16xi32>, vector<16xi32>], vector<16xf32>,
      %parallel_loop3A_142 = arith.constant 200 : i32
      %parallel_loop3A_143 = vector.broadcast %parallel_loop3A_142 : i32 to vector<16xi32>
      %parallel_loop3A_144 = arith.addi %parallel_loop3A_132, %parallel_loop3A_143 : vector<16xi32>
      tpu.vector_store_idx %arg9[%parallel_loop3A_32, %parallel_loop3A_144], %broadcast_in_dim3A_21 {add = true} : memref<32x301xf32, #tpu.memory_space<vmem>>[vector<16xi32>, vector<16xi32>], vector<16xf32>,
      tpu.vector_store_idx %arg9[%parallel_loop3A_32, %parallel_loop3A_138], %broadcast_in_dim3A_21 {add = true} : memref<32x301xf32, #tpu.memory_space<vmem>>[vector<16xi32>, vector<16xi32>], vector<16xf32>,
      %parallel_loop3A_145 = arith.constant 200 : i32
      %parallel_loop3A_146 = vector.broadcast %parallel_loop3A_145 : i32 to vector<16xi32>
      %parallel_loop3A_147 = arith.addi %parallel_loop3A_141, %parallel_loop3A_146 : vector<16xi32>
      tpu.vector_store_idx %arg9[%parallel_loop3A_32, %parallel_loop3A_147], %broadcast_in_dim3A_21 {add = true} : memref<32x301xf32, #tpu.memory_space<vmem>>[vector<16xi32>, vector<16xi32>], vector<16xf32>,
      %parallel_loop3A_148 = arith.index_cast %parallel_loop3A_31 : i32 to index
      %parallel_loop3A_149 = arith.constant 32 : index
      %parallel_loop3A_150 = tpu.vector_load %arg6[%parallel_loop3A_148, %parallel_loop3A_149] {strides = array<i32>} : memref<32x100xi32, #tpu.memory_space<vmem>>, vector<16xi32>,
      %parallel_loop3A_151 = arith.constant 255 : i32
      %parallel_loop3A_152 = vector.broadcast %parallel_loop3A_151 : i32 to vector<16xi32>
      %parallel_loop3A_153 = arith.andi %parallel_loop3A_150, %parallel_loop3A_152 : vector<16xi32>
      %parallel_loop3A_154 = arith.constant 8 : i32
      %parallel_loop3A_155 = vector.broadcast %parallel_loop3A_154 : i32 to vector<16xi32>
      %parallel_loop3A_156 = arith.shrui %parallel_loop3A_150, %parallel_loop3A_155 : vector<16xi32>
      %parallel_loop3A_157 = arith.constant 255 : i32
      %parallel_loop3A_158 = vector.broadcast %parallel_loop3A_157 : i32 to vector<16xi32>
      %parallel_loop3A_159 = arith.andi %parallel_loop3A_156, %parallel_loop3A_158 : vector<16xi32>
      %parallel_loop3A_160 = arith.constant 16 : i32
      %parallel_loop3A_161 = vector.broadcast %parallel_loop3A_160 : i32 to vector<16xi32>
      %parallel_loop3A_162 = arith.shrui %parallel_loop3A_150, %parallel_loop3A_161 : vector<16xi32>
      %parallel_loop3A_163 = arith.constant 255 : i32
      %parallel_loop3A_164 = vector.broadcast %parallel_loop3A_163 : i32 to vector<16xi32>
      %parallel_loop3A_165 = arith.andi %parallel_loop3A_162, %parallel_loop3A_164 : vector<16xi32>
      %parallel_loop3A_166 = arith.constant 24 : i32
      %parallel_loop3A_167 = vector.broadcast %parallel_loop3A_166 : i32 to vector<16xi32>
      %parallel_loop3A_168 = arith.shrui %parallel_loop3A_150, %parallel_loop3A_167 : vector<16xi32>
      tpu.vector_store_idx %arg9[%parallel_loop3A_32, %parallel_loop3A_153], %broadcast_in_dim3A_21 {add = true} : memref<32x301xf32, #tpu.memory_space<vmem>>[vector<16xi32>, vector<16xi32>], vector<16xf32>,
      %parallel_loop3A_169 = arith.constant 200 : i32
      %parallel_loop3A_170 = vector.broadcast %parallel_loop3A_169 : i32 to vector<16xi32>
      %parallel_loop3A_171 = arith.addi %parallel_loop3A_159, %parallel_loop3A_170 : vector<16xi32>
      tpu.vector_store_idx %arg9[%parallel_loop3A_32, %parallel_loop3A_171], %broadcast_in_dim3A_21 {add = true} : memref<32x301xf32, #tpu.memory_space<vmem>>[vector<16xi32>, vector<16xi32>], vector<16xf32>,
      tpu.vector_store_idx %arg9[%parallel_loop3A_32, %parallel_loop3A_165], %broadcast_in_dim3A_21 {add = true} : memref<32x301xf32, #tpu.memory_space<vmem>>[vector<16xi32>, vector<16xi32>], vector<16xf32>,
      %parallel_loop3A_172 = arith.constant 200 : i32
      %parallel_loop3A_173 = vector.broadcast %parallel_loop3A_172 : i32 to vector<16xi32>
      %parallel_loop3A_174 = arith.addi %parallel_loop3A_168, %parallel_loop3A_173 : vector<16xi32>
      tpu.vector_store_idx %arg9[%parallel_loop3A_32, %parallel_loop3A_174], %broadcast_in_dim3A_21 {add = true} : memref<32x301xf32, #tpu.memory_space<vmem>>[vector<16xi32>, vector<16xi32>], vector<16xf32>,
      %parallel_loop3A_175 = arith.index_cast %parallel_loop3A_31 : i32 to index
      %parallel_loop3A_176 = arith.constant 48 : index
      %parallel_loop3A_177 = tpu.vector_load %arg6[%parallel_loop3A_175, %parallel_loop3A_176] {strides = array<i32>} : memref<32x100xi32, #tpu.memory_space<vmem>>, vector<16xi32>,
      %parallel_loop3A_178 = arith.constant 255 : i32
      %parallel_loop3A_179 = vector.broadcast %parallel_loop3A_178 : i32 to vector<16xi32>
      %parallel_loop3A_180 = arith.andi %parallel_loop3A_177, %parallel_loop3A_179 : vector<16xi32>
      %parallel_loop3A_181 = arith.constant 8 : i32
      %parallel_loop3A_182 = vector.broadcast %parallel_loop3A_181 : i32 to vector<16xi32>
      %parallel_loop3A_183 = arith.shrui %parallel_loop3A_177, %parallel_loop3A_182 : vector<16xi32>
      %parallel_loop3A_184 = arith.constant 255 : i32
      %parallel_loop3A_185 = vector.broadcast %parallel_loop3A_184 : i32 to vector<16xi32>
      %parallel_loop3A_186 = arith.andi %parallel_loop3A_183, %parallel_loop3A_185 : vector<16xi32>
      %parallel_loop3A_187 = arith.constant 16 : i32
      %parallel_loop3A_188 = vector.broadcast %parallel_loop3A_187 : i32 to vector<16xi32>
      %parallel_loop3A_189 = arith.shrui %parallel_loop3A_177, %parallel_loop3A_188 : vector<16xi32>
      %parallel_loop3A_190 = arith.constant 255 : i32
      %parallel_loop3A_191 = vector.broadcast %parallel_loop3A_190 : i32 to vector<16xi32>
      %parallel_loop3A_192 = arith.andi %parallel_loop3A_189, %parallel_loop3A_191 : vector<16xi32>
      %parallel_loop3A_193 = arith.constant 24 : i32
      %parallel_loop3A_194 = vector.broadcast %parallel_loop3A_193 : i32 to vector<16xi32>
      %parallel_loop3A_195 = arith.shrui %parallel_loop3A_177, %parallel_loop3A_194 : vector<16xi32>
      tpu.vector_store_idx %arg9[%parallel_loop3A_32, %parallel_loop3A_180], %broadcast_in_dim3A_21 {add = true} : memref<32x301xf32, #tpu.memory_space<vmem>>[vector<16xi32>, vector<16xi32>], vector<16xf32>,
      %parallel_loop3A_196 = arith.constant 200 : i32
      %parallel_loop3A_197 = vector.broadcast %parallel_loop3A_196 : i32 to vector<16xi32>
      %parallel_loop3A_198 = arith.addi %parallel_loop3A_186, %parallel_loop3A_197 : vector<16xi32>
      tpu.vector_store_idx %arg9[%parallel_loop3A_32, %parallel_loop3A_198], %broadcast_in_dim3A_21 {add = true} : memref<32x301xf32, #tpu.memory_space<vmem>>[vector<16xi32>, vector<16xi32>], vector<16xf32>,
      tpu.vector_store_idx %arg9[%parallel_loop3A_32, %parallel_loop3A_192], %broadcast_in_dim3A_21 {add = true} : memref<32x301xf32, #tpu.memory_space<vmem>>[vector<16xi32>, vector<16xi32>], vector<16xf32>,
      %parallel_loop3A_199 = arith.constant 200 : i32
      %parallel_loop3A_200 = vector.broadcast %parallel_loop3A_199 : i32 to vector<16xi32>
      %parallel_loop3A_201 = arith.addi %parallel_loop3A_195, %parallel_loop3A_200 : vector<16xi32>
      tpu.vector_store_idx %arg9[%parallel_loop3A_32, %parallel_loop3A_201], %broadcast_in_dim3A_21 {add = true} : memref<32x301xf32, #tpu.memory_space<vmem>>[vector<16xi32>, vector<16xi32>], vector<16xf32>,
      %parallel_loop3A_202 = arith.index_cast %parallel_loop3A_31 : i32 to index
      %parallel_loop3A_203 = arith.constant 64 : index
      %parallel_loop3A_204 = tpu.vector_load %arg6[%parallel_loop3A_202, %parallel_loop3A_203] {strides = array<i32>} : memref<32x100xi32, #tpu.memory_space<vmem>>, vector<16xi32>,
      %parallel_loop3A_205 = arith.constant 255 : i32
      %parallel_loop3A_206 = vector.broadcast %parallel_loop3A_205 : i32 to vector<16xi32>
      %parallel_loop3A_207 = arith.andi %parallel_loop3A_204, %parallel_loop3A_206 : vector<16xi32>
      %parallel_loop3A_208 = arith.constant 8 : i32
      %parallel_loop3A_209 = vector.broadcast %parallel_loop3A_208 : i32 to vector<16xi32>
      %parallel_loop3A_210 = arith.shrui %parallel_loop3A_204, %parallel_loop3A_209 : vector<16xi32>
      %parallel_loop3A_211 = arith.constant 255 : i32
      %parallel_loop3A_212 = vector.broadcast %parallel_loop3A_211 : i32 to vector<16xi32>
      %parallel_loop3A_213 = arith.andi %parallel_loop3A_210, %parallel_loop3A_212 : vector<16xi32>
      %parallel_loop3A_214 = arith.constant 16 : i32
      %parallel_loop3A_215 = vector.broadcast %parallel_loop3A_214 : i32 to vector<16xi32>
      %parallel_loop3A_216 = arith.shrui %parallel_loop3A_204, %parallel_loop3A_215 : vector<16xi32>
      %parallel_loop3A_217 = arith.constant 255 : i32
      %parallel_loop3A_218 = vector.broadcast %parallel_loop3A_217 : i32 to vector<16xi32>
      %parallel_loop3A_219 = arith.andi %parallel_loop3A_216, %parallel_loop3A_218 : vector<16xi32>
      %parallel_loop3A_220 = arith.constant 24 : i32
      %parallel_loop3A_221 = vector.broadcast %parallel_loop3A_220 : i32 to vector<16xi32>
      %parallel_loop3A_222 = arith.shrui %parallel_loop3A_204, %parallel_loop3A_221 : vector<16xi32>
      tpu.vector_store_idx %arg9[%parallel_loop3A_32, %parallel_loop3A_207], %broadcast_in_dim3A_21 {add = true} : memref<32x301xf32, #tpu.memory_space<vmem>>[vector<16xi32>, vector<16xi32>], vector<16xf32>,
      %parallel_loop3A_223 = arith.constant 200 : i32
      %parallel_loop3A_224 = vector.broadcast %parallel_loop3A_223 : i32 to vector<16xi32>
      %parallel_loop3A_225 = arith.addi %parallel_loop3A_213, %parallel_loop3A_224 : vector<16xi32>
      tpu.vector_store_idx %arg9[%parallel_loop3A_32, %parallel_loop3A_225], %broadcast_in_dim3A_21 {add = true} : memref<32x301xf32, #tpu.memory_space<vmem>>[vector<16xi32>, vector<16xi32>], vector<16xf32>,
      tpu.vector_store_idx %arg9[%parallel_loop3A_32, %parallel_loop3A_219], %broadcast_in_dim3A_21 {add = true} : memref<32x301xf32, #tpu.memory_space<vmem>>[vector<16xi32>, vector<16xi32>], vector<16xf32>,
      %parallel_loop3A_226 = arith.constant 200 : i32
      %parallel_loop3A_227 = vector.broadcast %parallel_loop3A_226 : i32 to vector<16xi32>
      %parallel_loop3A_228 = arith.addi %parallel_loop3A_222, %parallel_loop3A_227 : vector<16xi32>
      tpu.vector_store_idx %arg9[%parallel_loop3A_32, %parallel_loop3A_228], %broadcast_in_dim3A_21 {add = true} : memref<32x301xf32, #tpu.memory_space<vmem>>[vector<16xi32>, vector<16xi32>], vector<16xf32>,
      %parallel_loop3A_229 = arith.index_cast %parallel_loop3A_31 : i32 to index
      %parallel_loop3A_230 = arith.constant 80 : index
      %parallel_loop3A_231 = tpu.vector_load %arg6[%parallel_loop3A_229, %parallel_loop3A_230] {strides = array<i32>} : memref<32x100xi32, #tpu.memory_space<vmem>>, vector<16xi32>,
      %parallel_loop3A_232 = arith.constant 255 : i32
      %parallel_loop3A_233 = vector.broadcast %parallel_loop3A_232 : i32 to vector<16xi32>
      %parallel_loop3A_234 = arith.andi %parallel_loop3A_231, %parallel_loop3A_233 : vector<16xi32>
      %parallel_loop3A_235 = arith.constant 8 : i32
      %parallel_loop3A_236 = vector.broadcast %parallel_loop3A_235 : i32 to vector<16xi32>
      %parallel_loop3A_237 = arith.shrui %parallel_loop3A_231, %parallel_loop3A_236 : vector<16xi32>
      %parallel_loop3A_238 = arith.constant 255 : i32
      %parallel_loop3A_239 = vector.broadcast %parallel_loop3A_238 : i32 to vector<16xi32>
      %parallel_loop3A_240 = arith.andi %parallel_loop3A_237, %parallel_loop3A_239 : vector<16xi32>
      %parallel_loop3A_241 = arith.constant 16 : i32
      %parallel_loop3A_242 = vector.broadcast %parallel_loop3A_241 : i32 to vector<16xi32>
      %parallel_loop3A_243 = arith.shrui %parallel_loop3A_231, %parallel_loop3A_242 : vector<16xi32>
      %parallel_loop3A_244 = arith.constant 255 : i32
      %parallel_loop3A_245 = vector.broadcast %parallel_loop3A_244 : i32 to vector<16xi32>
      %parallel_loop3A_246 = arith.andi %parallel_loop3A_243, %parallel_loop3A_245 : vector<16xi32>
      %parallel_loop3A_247 = arith.constant 24 : i32
      %parallel_loop3A_248 = vector.broadcast %parallel_loop3A_247 : i32 to vector<16xi32>
      %parallel_loop3A_249 = arith.shrui %parallel_loop3A_231, %parallel_loop3A_248 : vector<16xi32>
      tpu.vector_store_idx %arg9[%parallel_loop3A_32, %parallel_loop3A_234], %broadcast_in_dim3A_21 {add = true} : memref<32x301xf32, #tpu.memory_space<vmem>>[vector<16xi32>, vector<16xi32>], vector<16xf32>,
      %parallel_loop3A_250 = arith.constant 200 : i32
      %parallel_loop3A_251 = vector.broadcast %parallel_loop3A_250 : i32 to vector<16xi32>
      %parallel_loop3A_252 = arith.addi %parallel_loop3A_240, %parallel_loop3A_251 : vector<16xi32>
      tpu.vector_store_idx %arg9[%parallel_loop3A_32, %parallel_loop3A_252], %broadcast_in_dim3A_21 {add = true} : memref<32x301xf32, #tpu.memory_space<vmem>>[vector<16xi32>, vector<16xi32>], vector<16xf32>,
      tpu.vector_store_idx %arg9[%parallel_loop3A_32, %parallel_loop3A_246], %broadcast_in_dim3A_21 {add = true} : memref<32x301xf32, #tpu.memory_space<vmem>>[vector<16xi32>, vector<16xi32>], vector<16xf32>,
      %parallel_loop3A_253 = arith.constant 200 : i32
      %parallel_loop3A_254 = vector.broadcast %parallel_loop3A_253 : i32 to vector<16xi32>
      %parallel_loop3A_255 = arith.addi %parallel_loop3A_249, %parallel_loop3A_254 : vector<16xi32>
      tpu.vector_store_idx %arg9[%parallel_loop3A_32, %parallel_loop3A_255], %broadcast_in_dim3A_21 {add = true} : memref<32x301xf32, #tpu.memory_space<vmem>>[vector<16xi32>, vector<16xi32>], vector<16xf32>,
      %parallel_loop3A_256 = arith.index_cast %parallel_loop3A_31 : i32 to index
      %parallel_loop3A_257 = arith.constant 84 : index
      %parallel_loop3A_258 = tpu.vector_load %arg6[%parallel_loop3A_256, %parallel_loop3A_257] {strides = array<i32>} : memref<32x100xi32, #tpu.memory_space<vmem>>, vector<16xi32>,
      %parallel_loop3A_259 = arith.constant 255 : i32
      %parallel_loop3A_260 = vector.broadcast %parallel_loop3A_259 : i32 to vector<16xi32>
      %parallel_loop3A_261 = arith.andi %parallel_loop3A_258, %parallel_loop3A_260 : vector<16xi32>
      %parallel_loop3A_262 = arith.constant 8 : i32
      %parallel_loop3A_263 = vector.broadcast %parallel_loop3A_262 : i32 to vector<16xi32>
      %parallel_loop3A_264 = arith.shrui %parallel_loop3A_258, %parallel_loop3A_263 : vector<16xi32>
      %parallel_loop3A_265 = arith.constant 255 : i32
      %parallel_loop3A_266 = vector.broadcast %parallel_loop3A_265 : i32 to vector<16xi32>
      %parallel_loop3A_267 = arith.andi %parallel_loop3A_264, %parallel_loop3A_266 : vector<16xi32>
      %parallel_loop3A_268 = arith.constant 16 : i32
      %parallel_loop3A_269 = vector.broadcast %parallel_loop3A_268 : i32 to vector<16xi32>
      %parallel_loop3A_270 = arith.shrui %parallel_loop3A_258, %parallel_loop3A_269 : vector<16xi32>
      %parallel_loop3A_271 = arith.constant 255 : i32
      %parallel_loop3A_272 = vector.broadcast %parallel_loop3A_271 : i32 to vector<16xi32>
      %parallel_loop3A_273 = arith.andi %parallel_loop3A_270, %parallel_loop3A_272 : vector<16xi32>
      %parallel_loop3A_274 = arith.constant 24 : i32
      %parallel_loop3A_275 = vector.broadcast %parallel_loop3A_274 : i32 to vector<16xi32>
      %parallel_loop3A_276 = arith.shrui %parallel_loop3A_258, %parallel_loop3A_275 : vector<16xi32>
      tpu.vector_store_idx %arg9[%parallel_loop3A_32, %parallel_loop3A_261], %broadcast_in_dim3A_21 masked %ge3A_28 {add = true} : memref<32x301xf32, #tpu.memory_space<vmem>>[vector<16xi32>, vector<16xi32>], vector<16xf32>, vector<16xi1>
      %parallel_loop3A_277 = arith.constant 200 : i32
      %parallel_loop3A_278 = vector.broadcast %parallel_loop3A_277 : i32 to vector<16xi32>
      %parallel_loop3A_279 = arith.addi %parallel_loop3A_267, %parallel_loop3A_278 : vector<16xi32>
      tpu.vector_store_idx %arg9[%parallel_loop3A_32, %parallel_loop3A_279], %broadcast_in_dim3A_21 masked %ge3A_28 {add = true} : memref<32x301xf32, #tpu.memory_space<vmem>>[vector<16xi32>, vector<16xi32>], vector<16xf32>, vector<16xi1>
      tpu.vector_store_idx %arg9[%parallel_loop3A_32, %parallel_loop3A_273], %broadcast_in_dim3A_21 masked %ge3A_28 {add = true} : memref<32x301xf32, #tpu.memory_space<vmem>>[vector<16xi32>, vector<16xi32>], vector<16xf32>, vector<16xi1>
      %parallel_loop3A_280 = arith.constant 200 : i32
      %parallel_loop3A_281 = vector.broadcast %parallel_loop3A_280 : i32 to vector<16xi32>
      %parallel_loop3A_282 = arith.addi %parallel_loop3A_276, %parallel_loop3A_281 : vector<16xi32>
      tpu.vector_store_idx %arg9[%parallel_loop3A_32, %parallel_loop3A_282], %broadcast_in_dim3A_21 masked %ge3A_28 {add = true} : memref<32x301xf32, #tpu.memory_space<vmem>>[vector<16xi32>, vector<16xi32>], vector<16xf32>, vector<16xi1>
      %parallel_loop3A_283 = arith.constant 0 : i32
      %parallel_loop3A_284 = vector.broadcast %parallel_loop3A_283 : i32 to vector<16xi32>
      %parallel_loop3A_285 = arith.addi %parallel_loop3A_284, %iota3A : vector<16xi32>
      %parallel_loop3A_286 = arith.index_cast %parallel_loop3A_31 : i32 to index
      %parallel_loop3A_287 = arith.constant 0 : index
      %parallel_loop3A_288 = tpu.vector_load %arg7[%parallel_loop3A_286, %parallel_loop3A_287] {strides = array<i32>} : memref<32x200xf32, #tpu.memory_space<vmem>>, vector<16xf32>,
      %parallel_loop3A_289 = arith.cmpi slt, %parallel_loop3A_285, %parallel_loop3A_93 : vector<16xi32>
      %parallel_loop3A_290 = arith.constant 0.000000e+00 : f32
      %parallel_loop3A_291 = vector.broadcast %parallel_loop3A_290 : f32 to vector<16xf32>
      %parallel_loop3A_292 = arith.select %parallel_loop3A_289, %parallel_loop3A_288, %parallel_loop3A_291 : vector<16xi1>, vector<16xf32>
      %parallel_loop3A_293 = arith.addf %broadcast_in_dim3A_23, %parallel_loop3A_292 : vector<16xf32>
      %parallel_loop3A_294 = arith.constant 16 : i32
      %parallel_loop3A_295 = vector.broadcast %parallel_loop3A_294 : i32 to vector<16xi32>
      %parallel_loop3A_296 = arith.addi %parallel_loop3A_295, %iota3A : vector<16xi32>
      %parallel_loop3A_297 = arith.index_cast %parallel_loop3A_31 : i32 to index
      %parallel_loop3A_298 = arith.constant 16 : index
      %parallel_loop3A_299 = tpu.vector_load %arg7[%parallel_loop3A_297, %parallel_loop3A_298] {strides = array<i32>} : memref<32x200xf32, #tpu.memory_space<vmem>>, vector<16xf32>,
      %parallel_loop3A_300 = arith.cmpi slt, %parallel_loop3A_296, %parallel_loop3A_93 : vector<16xi32>
      %parallel_loop3A_301 = arith.constant 0.000000e+00 : f32
      %parallel_loop3A_302 = vector.broadcast %parallel_loop3A_301 : f32 to vector<16xf32>
      %parallel_loop3A_303 = arith.select %parallel_loop3A_300, %parallel_loop3A_299, %parallel_loop3A_302 : vector<16xi1>, vector<16xf32>
      %parallel_loop3A_304 = arith.addf %parallel_loop3A_293, %parallel_loop3A_303 : vector<16xf32>
      %parallel_loop3A_305 = arith.constant 32 : i32
      %parallel_loop3A_306 = vector.broadcast %parallel_loop3A_305 : i32 to vector<16xi32>
      %parallel_loop3A_307 = arith.addi %parallel_loop3A_306, %iota3A : vector<16xi32>
      %parallel_loop3A_308 = arith.index_cast %parallel_loop3A_31 : i32 to index
      %parallel_loop3A_309 = arith.constant 32 : index
      %parallel_loop3A_310 = tpu.vector_load %arg7[%parallel_loop3A_308, %parallel_loop3A_309] {strides = array<i32>} : memref<32x200xf32, #tpu.memory_space<vmem>>, vector<16xf32>,
      %parallel_loop3A_311 = arith.cmpi slt, %parallel_loop3A_307, %parallel_loop3A_93 : vector<16xi32>
      %parallel_loop3A_312 = arith.constant 0.000000e+00 : f32
      %parallel_loop3A_313 = vector.broadcast %parallel_loop3A_312 : f32 to vector<16xf32>
      %parallel_loop3A_314 = arith.select %parallel_loop3A_311, %parallel_loop3A_310, %parallel_loop3A_313 : vector<16xi1>, vector<16xf32>
      %parallel_loop3A_315 = arith.addf %parallel_loop3A_304, %parallel_loop3A_314 : vector<16xf32>
      %parallel_loop3A_316 = arith.constant 48 : i32
      %parallel_loop3A_317 = vector.broadcast %parallel_loop3A_316 : i32 to vector<16xi32>
      %parallel_loop3A_318 = arith.addi %parallel_loop3A_317, %iota3A : vector<16xi32>
      %parallel_loop3A_319 = arith.index_cast %parallel_loop3A_31 : i32 to index
      %parallel_loop3A_320 = arith.constant 48 : index
      %parallel_loop3A_321 = tpu.vector_load %arg7[%parallel_loop3A_319, %parallel_loop3A_320] {strides = array<i32>} : memref<32x200xf32, #tpu.memory_space<vmem>>, vector<16xf32>,
      %parallel_loop3A_322 = arith.cmpi slt, %parallel_loop3A_318, %parallel_loop3A_93 : vector<16xi32>
      %parallel_loop3A_323 = arith.constant 0.000000e+00 : f32
      %parallel_loop3A_324 = vector.broadcast %parallel_loop3A_323 : f32 to vector<16xf32>
      %parallel_loop3A_325 = arith.select %parallel_loop3A_322, %parallel_loop3A_321, %parallel_loop3A_324 : vector<16xi1>, vector<16xf32>
      %parallel_loop3A_326 = arith.addf %parallel_loop3A_315, %parallel_loop3A_325 : vector<16xf32>
      %parallel_loop3A_327 = arith.constant 64 : i32
      %parallel_loop3A_328 = vector.broadcast %parallel_loop3A_327 : i32 to vector<16xi32>
      %parallel_loop3A_329 = arith.addi %parallel_loop3A_328, %iota3A : vector<16xi32>
      %parallel_loop3A_330 = arith.index_cast %parallel_loop3A_31 : i32 to index
      %parallel_loop3A_331 = arith.constant 64 : index
      %parallel_loop3A_332 = tpu.vector_load %arg7[%parallel_loop3A_330, %parallel_loop3A_331] {strides = array<i32>} : memref<32x200xf32, #tpu.memory_space<vmem>>, vector<16xf32>,
      %parallel_loop3A_333 = arith.cmpi slt, %parallel_loop3A_329, %parallel_loop3A_93 : vector<16xi32>
      %parallel_loop3A_334 = arith.constant 0.000000e+00 : f32
      %parallel_loop3A_335 = vector.broadcast %parallel_loop3A_334 : f32 to vector<16xf32>
      %parallel_loop3A_336 = arith.select %parallel_loop3A_333, %parallel_loop3A_332, %parallel_loop3A_335 : vector<16xi1>, vector<16xf32>
      %parallel_loop3A_337 = arith.addf %parallel_loop3A_326, %parallel_loop3A_336 : vector<16xf32>
      %parallel_loop3A_338 = arith.constant 80 : i32
      %parallel_loop3A_339 = vector.broadcast %parallel_loop3A_338 : i32 to vector<16xi32>
      %parallel_loop3A_340 = arith.addi %parallel_loop3A_339, %iota3A : vector<16xi32>
      %parallel_loop3A_341 = arith.index_cast %parallel_loop3A_31 : i32 to index
      %parallel_loop3A_342 = arith.constant 80 : index
      %parallel_loop3A_343 = tpu.vector_load %arg7[%parallel_loop3A_341, %parallel_loop3A_342] {strides = array<i32>} : memref<32x200xf32, #tpu.memory_space<vmem>>, vector<16xf32>,
      %parallel_loop3A_344 = arith.cmpi slt, %parallel_loop3A_340, %parallel_loop3A_93 : vector<16xi32>
      %parallel_loop3A_345 = arith.constant 0.000000e+00 : f32
      %parallel_loop3A_346 = vector.broadcast %parallel_loop3A_345 : f32 to vector<16xf32>
      %parallel_loop3A_347 = arith.select %parallel_loop3A_344, %parallel_loop3A_343, %parallel_loop3A_346 : vector<16xi1>, vector<16xf32>
      %parallel_loop3A_348 = arith.addf %parallel_loop3A_337, %parallel_loop3A_347 : vector<16xf32>
      %parallel_loop3A_349 = arith.constant 96 : i32
      %parallel_loop3A_350 = vector.broadcast %parallel_loop3A_349 : i32 to vector<16xi32>
      %parallel_loop3A_351 = arith.addi %parallel_loop3A_350, %iota3A : vector<16xi32>
      %parallel_loop3A_352 = arith.index_cast %parallel_loop3A_31 : i32 to index
      %parallel_loop3A_353 = arith.constant 96 : index
      %parallel_loop3A_354 = tpu.vector_load %arg7[%parallel_loop3A_352, %parallel_loop3A_353] {strides = array<i32>} : memref<32x200xf32, #tpu.memory_space<vmem>>, vector<16xf32>,
      %parallel_loop3A_355 = arith.cmpi slt, %parallel_loop3A_351, %parallel_loop3A_93 : vector<16xi32>
      %parallel_loop3A_356 = arith.constant 0.000000e+00 : f32
      %parallel_loop3A_357 = vector.broadcast %parallel_loop3A_356 : f32 to vector<16xf32>
      %parallel_loop3A_358 = arith.select %parallel_loop3A_355, %parallel_loop3A_354, %parallel_loop3A_357 : vector<16xi1>, vector<16xf32>
      %parallel_loop3A_359 = arith.addf %parallel_loop3A_348, %parallel_loop3A_358 : vector<16xf32>
      %parallel_loop3A_360 = arith.constant 112 : i32
      %parallel_loop3A_361 = vector.broadcast %parallel_loop3A_360 : i32 to vector<16xi32>
      %parallel_loop3A_362 = arith.addi %parallel_loop3A_361, %iota3A : vector<16xi32>
      %parallel_loop3A_363 = arith.index_cast %parallel_loop3A_31 : i32 to index
      %parallel_loop3A_364 = arith.constant 112 : index
      %parallel_loop3A_365 = tpu.vector_load %arg7[%parallel_loop3A_363, %parallel_loop3A_364] {strides = array<i32>} : memref<32x200xf32, #tpu.memory_space<vmem>>, vector<16xf32>,
      %parallel_loop3A_366 = arith.cmpi slt, %parallel_loop3A_362, %parallel_loop3A_93 : vector<16xi32>
      %parallel_loop3A_367 = arith.constant 0.000000e+00 : f32
      %parallel_loop3A_368 = vector.broadcast %parallel_loop3A_367 : f32 to vector<16xf32>
      %parallel_loop3A_369 = arith.select %parallel_loop3A_366, %parallel_loop3A_365, %parallel_loop3A_368 : vector<16xi1>, vector<16xf32>
      %parallel_loop3A_370 = arith.addf %parallel_loop3A_359, %parallel_loop3A_369 : vector<16xf32>
      %parallel_loop3A_371 = arith.constant 128 : i32
      %parallel_loop3A_372 = vector.broadcast %parallel_loop3A_371 : i32 to vector<16xi32>
      %parallel_loop3A_373 = arith.addi %parallel_loop3A_372, %iota3A : vector<16xi32>
      %parallel_loop3A_374 = arith.index_cast %parallel_loop3A_31 : i32 to index
      %parallel_loop3A_375 = arith.constant 128 : index
      %parallel_loop3A_376 = tpu.vector_load %arg7[%parallel_loop3A_374, %parallel_loop3A_375] {strides = array<i32>} : memref<32x200xf32, #tpu.memory_space<vmem>>, vector<16xf32>,
      %parallel_loop3A_377 = arith.cmpi slt, %parallel_loop3A_373, %parallel_loop3A_93 : vector<16xi32>
      %parallel_loop3A_378 = arith.constant 0.000000e+00 : f32
      %parallel_loop3A_379 = vector.broadcast %parallel_loop3A_378 : f32 to vector<16xf32>
      %parallel_loop3A_380 = arith.select %parallel_loop3A_377, %parallel_loop3A_376, %parallel_loop3A_379 : vector<16xi1>, vector<16xf32>
      %parallel_loop3A_381 = arith.addf %parallel_loop3A_370, %parallel_loop3A_380 : vector<16xf32>
      %parallel_loop3A_382 = arith.constant 144 : i32
      %parallel_loop3A_383 = vector.broadcast %parallel_loop3A_382 : i32 to vector<16xi32>
      %parallel_loop3A_384 = arith.addi %parallel_loop3A_383, %iota3A : vector<16xi32>
      %parallel_loop3A_385 = arith.index_cast %parallel_loop3A_31 : i32 to index
      %parallel_loop3A_386 = arith.constant 144 : index
      %parallel_loop3A_387 = tpu.vector_load %arg7[%parallel_loop3A_385, %parallel_loop3A_386] {strides = array<i32>} : memref<32x200xf32, #tpu.memory_space<vmem>>, vector<16xf32>,
      %parallel_loop3A_388 = arith.cmpi slt, %parallel_loop3A_384, %parallel_loop3A_93 : vector<16xi32>
      %parallel_loop3A_389 = arith.constant 0.000000e+00 : f32
      %parallel_loop3A_390 = vector.broadcast %parallel_loop3A_389 : f32 to vector<16xf32>
      %parallel_loop3A_391 = arith.select %parallel_loop3A_388, %parallel_loop3A_387, %parallel_loop3A_390 : vector<16xi1>, vector<16xf32>
      %parallel_loop3A_392 = arith.addf %parallel_loop3A_381, %parallel_loop3A_391 : vector<16xf32>
      %parallel_loop3A_393 = arith.constant 160 : i32
      %parallel_loop3A_394 = vector.broadcast %parallel_loop3A_393 : i32 to vector<16xi32>
      %parallel_loop3A_395 = arith.addi %parallel_loop3A_394, %iota3A : vector<16xi32>
      %parallel_loop3A_396 = arith.index_cast %parallel_loop3A_31 : i32 to index
      %parallel_loop3A_397 = arith.constant 160 : index
      %parallel_loop3A_398 = tpu.vector_load %arg7[%parallel_loop3A_396, %parallel_loop3A_397] {strides = array<i32>} : memref<32x200xf32, #tpu.memory_space<vmem>>, vector<16xf32>,
      %parallel_loop3A_399 = arith.cmpi slt, %parallel_loop3A_395, %parallel_loop3A_93 : vector<16xi32>
      %parallel_loop3A_400 = arith.constant 0.000000e+00 : f32
      %parallel_loop3A_401 = vector.broadcast %parallel_loop3A_400 : f32 to vector<16xf32>
      %parallel_loop3A_402 = arith.select %parallel_loop3A_399, %parallel_loop3A_398, %parallel_loop3A_401 : vector<16xi1>, vector<16xf32>
      %parallel_loop3A_403 = arith.addf %parallel_loop3A_392, %parallel_loop3A_402 : vector<16xf32>
      %parallel_loop3A_404 = arith.constant 176 : i32
      %parallel_loop3A_405 = vector.broadcast %parallel_loop3A_404 : i32 to vector<16xi32>
      %parallel_loop3A_406 = arith.addi %parallel_loop3A_405, %iota3A : vector<16xi32>
      %parallel_loop3A_407 = arith.index_cast %parallel_loop3A_31 : i32 to index
      %parallel_loop3A_408 = arith.constant 176 : index
      %parallel_loop3A_409 = tpu.vector_load %arg7[%parallel_loop3A_407, %parallel_loop3A_408] {strides = array<i32>} : memref<32x200xf32, #tpu.memory_space<vmem>>, vector<16xf32>,
      %parallel_loop3A_410 = arith.cmpi slt, %parallel_loop3A_406, %parallel_loop3A_93 : vector<16xi32>
      %parallel_loop3A_411 = arith.constant 0.000000e+00 : f32
      %parallel_loop3A_412 = vector.broadcast %parallel_loop3A_411 : f32 to vector<16xf32>
      %parallel_loop3A_413 = arith.select %parallel_loop3A_410, %parallel_loop3A_409, %parallel_loop3A_412 : vector<16xi1>, vector<16xf32>
      %parallel_loop3A_414 = arith.addf %parallel_loop3A_403, %parallel_loop3A_413 : vector<16xf32>
      %parallel_loop3A_415 = arith.constant 184 : i32
      %parallel_loop3A_416 = vector.broadcast %parallel_loop3A_415 : i32 to vector<16xi32>
      %parallel_loop3A_417 = arith.addi %parallel_loop3A_416, %iota3A : vector<16xi32>
      %parallel_loop3A_418 = arith.index_cast %parallel_loop3A_31 : i32 to index
      %parallel_loop3A_419 = arith.constant 184 : index
      %parallel_loop3A_420 = tpu.vector_load %arg7[%parallel_loop3A_418, %parallel_loop3A_419] {strides = array<i32>} : memref<32x200xf32, #tpu.memory_space<vmem>>, vector<16xf32>,
      %parallel_loop3A_421 = arith.cmpi slt, %parallel_loop3A_417, %parallel_loop3A_93 : vector<16xi32>
      %parallel_loop3A_422 = arith.andi %parallel_loop3A_421, %ge3A_25 : vector<16xi1>
      %parallel_loop3A_423 = arith.constant 0.000000e+00 : f32
      %parallel_loop3A_424 = vector.broadcast %parallel_loop3A_423 : f32 to vector<16xf32>
      %parallel_loop3A_425 = arith.select %parallel_loop3A_422, %parallel_loop3A_420, %parallel_loop3A_424 : vector<16xi1>, vector<16xf32>
      %parallel_loop3A_426 = arith.addf %parallel_loop3A_414, %parallel_loop3A_425 : vector<16xf32>
      %parallel_loop3A_427 = arith.constant true
      %parallel_loop3A_428 = vector.broadcast %parallel_loop3A_427 : i1 to vector<16xi1>
      %parallel_loop3A_429 = tpu.scan <sum>, %parallel_loop3A_426 masked %parallel_loop3A_428 : vector<16xf32>, vector<16xi1> -> vector<16xf32>
      %parallel_loop3A_430 = arith.sitofp %parallel_loop3A_93 : vector<16xi32> to vector<16xf32>
      %parallel_loop3A_431 = arith.divf %parallel_loop3A_429, %parallel_loop3A_430 : vector<16xf32>
      %parallel_loop3A_432 = arith.constant 300 : i32
      %parallel_loop3A_433 = vector.broadcast %parallel_loop3A_432 : i32 to vector<16xi32>
      %parallel_loop3A_434 = arith.constant 15 : i32
      %parallel_loop3A_435 = vector.broadcast %parallel_loop3A_434 : i32 to vector<16xi32>
      %parallel_loop3A_436 = arith.cmpi eq, %iota3A, %parallel_loop3A_435 : vector<16xi32>
      tpu.vector_store_idx %arg9[%parallel_loop3A_32, %parallel_loop3A_433], %parallel_loop3A_431 masked %parallel_loop3A_436 {add = true} : memref<32x301xf32, #tpu.memory_space<vmem>>[vector<16xi32>, vector<16xi32>], vector<16xf32>, vector<16xi1>
    } {sc.loop_unroll_factor = 4 : i64, sc.parallel_access}
    "tpu.region"() ({
      %run_scoped3A = tpu.sem_alloc : memref<!tpu.dma_semaphore, #tpu.memory_space<semaphore_mem>>
      %dma_start3A_31 = arith.constant 0 : i32
      %dma_start3A_32 = tpu.memref_slice %arg5[%mul3A_2, %dma_start3A_31] : memref<1024x301xf32, #tpu.memory_space<hbm>> -> memref<32x301xf32, #tpu.memory_space<hbm>>
      %dma_start3A_33 = arith.constant 0 : i32
      %dma_start3A_34 = tpu.memref_slice %arg5[%mul3A_2, %dma_start3A_33] : memref<1024x301xf32, #tpu.memory_space<hbm>> -> memref<32x301xf32, #tpu.memory_space<hbm>>
      tpu.enqueue_dma source(%arg9 : memref<32x301xf32, #tpu.memory_space<vmem>>) target(%dma_start3A_34 : memref<32x301xf32, #tpu.memory_space<hbm>>) target_semaphore(%run_scoped3A : memref<!tpu.dma_semaphore, #tpu.memory_space<semaphore_mem>>)
      %dma_wait3A_35 = arith.constant 0 : i32
      %dma_wait3A_36 = tpu.memref_slice %arg5[%mul3A_2, %dma_wait3A_35] : memref<1024x301xf32, #tpu.memory_space<hbm>> -> memref<32x301xf32, #tpu.memory_space<hbm>>
      %dma_wait3A_37 = arith.constant 0 : i32
      %dma_wait3A_38 = tpu.memref_slice %arg5[%mul3A_2, %dma_wait3A_37] : memref<1024x301xf32, #tpu.memory_space<hbm>> -> memref<32x301xf32, #tpu.memory_space<hbm>>
      tpu.wait_dma2 semaphore(%run_scoped3A : memref<!tpu.dma_semaphore, #tpu.memory_space<semaphore_mem>>) src(%arg9 : memref<32x301xf32, #tpu.memory_space<vmem>>) dst(%dma_wait3A_38 : memref<32x301xf32, #tpu.memory_space<hbm>>)
      tpu.yield
    }) : () -> ()
    return
  }
}

</mosaic_0001>

<sc_bundles>
// kernel: kernel.3.cloned.1.call-start
scs
__scs_entry_jumppad:
0x0: {  	(pc) =	sbr.rel $0x88, $3  }
0x1: {  	(tag) =	ssettag $0x0;
	lr =	simm.s32 $0x1  }
0x2: {  	[smem:$0x3F9D] =	sst lr;
	_ =	strace $0xD0000000  }
0x3: {  	_ = 	snop  }
0x4: {  	_ = 	snop  }
0x5: {  	_ = 	snop  }
0x6: {  	_ = 	snop  }
0x7: {  	_ = 	snop  }
__scs_overlays_trampoline_lowered:
0x8: {  	[smem:$0x3FAC] =	sst s0  }
0x9: {  	[smem:$0x3FAD] =	sst s1  }
0xa: {  	[smem:$0x3FAE] =	sst s2  }
0xb: {  	[smem:$0x3FAF] =	sst s3  }
0xc: {  	[smem:$0x3FB0] =	sst s4  }
0xd: {  	[smem:$0x3FB1] =	sst s5  }
0xe: {  	[smem:$0x3FB2] =	sst s6  }
0xf: {  	[smem:$0x3FB3] =	sst s7  }
0x10: {  	[smem:$0x3FB4] =	sst s8  }
0x11: {  	[smem:$0x3FB5] =	sst s9;
	s0 =	simm.s32 @!p0 $0x0  }
0x12: {  	s1 =	sld [smem:$0x3F9B];
	s0 =	simm.s32 @p0 $0x1  }
0x13: {  	[smem:$0x3FB6] =	sst s0;
	s0 =	simm.s32 @!p1 $0x0  }
0x14: {  	s2 =	sld [smem:$0x3F9A];
	s0 =	simm.s32 @p1 $0x1  }
0x15: {  	[smem:$0x3FB7] =	sst s0;
	s0 =	simm.s32 @!p2 $0x0  }
0x16: {  	s3 =	sld [smem:$0x3FDB];
	s0 =	simm.s32 @p2 $0x1  }
0x17: {  	s4 =	simm.s32 $0x1BF5;
	[smem:$0x3FB9] =	sst s0  }
0x18: {  	s0 =	sld [smem:$0x3F9C];
	_ =	swait.ge [sflag:s4], $0x0  }
0x19: {  	s7 =	sld [smem:$0x3F9D]  }
0x1a: {  	s8 =	sadd.s32 $0xFFFFE003, lr  }
0x1b: {  	s9 =	sadd.s32 $0xFFFFFEF7, lr;
	s5 =	simm.s32 $0xFFFFFFFF;
	p2 =	slt.u32 s8, $0xFFFFF086  }
0x1c: {  	p1 =	slt.u32 s9, $0xF7A;
	s5 =	simm.s32 @!p2 $0x0  }
0x1d: {  	s5 =	simm.s32 @p1 $0x1;
	p0 =	seq.s32 s7, s2  }
0x1e: {  	s7 =	smul.u32 @!p0 $0xF7A, s2;
	p2 =	seq.s32 @!p0 s5, $0x0  }
0x1f: {  	s9 =	smul.u32 $0xF7A, s1;
	s8 =	simm.s32 @!p0 $0x1BF5;
	p2 =	por !p2, p0  }
0x20: {  	[sflag:s8] =	ssyncset.s32 @!p0 $0xFFFFF086;
	s6 =	sadd.s32 @!p0 s3, s7;
	s7 =	simm.s32 @!p0 $0x108  }
0x21: {  	s3 =	sadd.s32 s3, s9;
	s6 =	sadd.s32 @!p0 $0x88, s6;
	s7 =	simm.s32 @p2 $0x1082  }
0x22: {  	[simem:s7], [sflag:s8] =	dma.local @!p0 [hbm:s6], $0xF7A  }
0x23: {  	s9 =	sor.u32 $0xD0000000, s2;
	s6 =	simm.s32 $0x108;
	_ =	swait.ge @!p0 [sflag:s8], $0x0  }
0x24: {  	s3 =	sadd.s32 $0x88, s3;
	s6 =	simm.s32 @!p1 $0x1082;
	[sflag:s4] =	ssyncset.s32 $0xFFFFF086  }
0x25: {  	[simem:s6], [sflag:s4] =	dma.local [hbm:s3], $0xF7A  }
0x26: {  	[smem:$0x3F9D] =	sst s1;
	(tag) =	ssettag s2;
	_ =	strace s9  }
0x27: {  	s1 =	sld [smem:$0x3FAD]  }
0x28: {  	s2 =	sld [smem:$0x3FAE]  }
0x29: {  	s4 =	sld [smem:$0x3FB0]  }
0x2a: {  	p0 =	seq.s32 s5, $0x0;
	s5 =	sld [smem:$0x3FB1]  }
0x2b: {  	s6 =	sld [smem:$0x3FB2]  }
0x2c: {  	s7 =	sld [smem:$0x3FB3]  }
0x2d: {  	s3 =	simm.s32 $0x108;
	s8 =	sld [smem:$0x3FB4]  }
0x2e: {  	s3 =	simm.s32 @!p0 $0x1082;
	s9 =	sld [smem:$0x3FB5]  }
0x2f: {  	lr =	sadd.s32 s0, s3;
	s0 =	sld [smem:$0x3FAC]  }
0x30: {  	s3 =	sld [smem:$0x3FAF]  }
0x31: {  	[smem:$0x3FB8] =	sst s10  }
0x32: {  	s10 =	sld [smem:$0x3FB6];
	_ =	sdelay $0x3  }
0x33: {  	p0 =	seq.s32 s10, $0x1;
	s10 =	sld [smem:$0x3FB8];
	_ =	sdelay $0x3  }
0x34: {  	[smem:$0x3FB8] =	sst s10  }
0x35: {  	s10 =	sld [smem:$0x3FB7];
	_ =	sdelay $0x3  }
0x36: {  	p1 =	seq.s32 s10, $0x1;
	s10 =	sld [smem:$0x3FB8];
	_ =	sdelay $0x3  }
0x37: {  	[smem:$0x3FB8] =	sst s10  }
0x38: {  	s10 =	sld [smem:$0x3FB9]  }
0x39: {  	_ = 	snop;
	(pc) =	sbr.ind lr, $3  }
0x3a: {  	_ = 	snop  }
0x3b: {  	_ = 	snop  }
0x3c: {  	p2 =	seq.s32 s10, $0x1;
	s10 =	sld [smem:$0x3FB8]  }
0x3d: {  	_ =	shalt  }
0x3e: {  	_ =	shalt  }
0x3f: {  	_ =	shalt  }
0x40: {  	_ =	shalt  }
0x41: {  	_ =	shalt  }
0x42: {  	_ =	shalt  }
0x43: {  	_ =	shalt  }
0x44: {  	_ =	shalt  }
0x45: {  	_ =	shalt  }
0x46: {  	_ =	shalt  }
0x47: {  	_ =	shalt  }
0x48: {  	_ =	shalt  }
0x49: {  	_ =	shalt  }
0x4a: {  	_ =	shalt  }
0x4b: {  	_ =	shalt  }
0x4c: {  	_ =	shalt  }
0x4d: {  	_ =	shalt  }
0x4e: {  	_ =	shalt  }
0x4f: {  	_ =	shalt  }
0x50: {  	_ =	shalt  }
0x51: {  	_ =	shalt  }
0x52: {  	_ =	shalt  }
0x53: {  	_ =	shalt  }
0x54: {  	_ =	shalt  }
0x55: {  	_ =	shalt  }
0x56: {  	_ =	shalt  }
0x57: {  	_ =	shalt  }
0x58: {  	_ =	shalt  }
0x59: {  	_ =	shalt  }
0x5a: {  	_ =	shalt  }
0x5b: {  	_ =	shalt  }
0x5c: {  	_ =	shalt  }
0x5d: {  	_ =	shalt  }
0x5e: {  	_ =	shalt  }
0x5f: {  	_ =	shalt  }
0x60: {  	_ =	shalt  }
0x61: {  	_ =	shalt  }
0x62: {  	_ =	shalt  }
0x63: {  	_ =	shalt  }
0x64: {  	_ =	shalt  }
0x65: {  	_ =	shalt  }
0x66: {  	_ =	shalt  }
0x67: {  	_ =	shalt  }
0x68: {  	_ =	shalt  }
0x69: {  	_ =	shalt  }
0x6a: {  	_ =	shalt  }
0x6b: {  	_ =	shalt  }
0x6c: {  	_ =	shalt  }
0x6d: {  	_ =	shalt  }
0x6e: {  	_ =	shalt  }
0x6f: {  	_ =	shalt  }
0x70: {  	_ =	shalt  }
0x71: {  	_ =	shalt  }
0x72: {  	_ =	shalt  }
0x73: {  	_ =	shalt  }
0x74: {  	_ =	shalt  }
0x75: {  	_ =	shalt  }
0x76: {  	_ =	shalt  }
0x77: {  	_ =	shalt  }
0x78: {  	_ =	shalt  }
0x79: {  	_ =	shalt  }
0x7a: {  	_ =	shalt  }
0x7b: {  	_ =	shalt  }
0x7c: {  	_ =	shalt  }
0x7d: {  	_ =	shalt  }
0x7e: {  	_ =	shalt  }
0x7f: {  	_ =	shalt  }
0x80: {  	_ =	shalt  }
0x81: {  	_ =	shalt  }
0x82: {  	_ =	shalt  }
0x83: {  	_ =	shalt  }
0x84: {  	_ =	shalt  }
0x85: {  	_ =	shalt  }
0x86: {  	_ =	shalt  }
0x87: {  	_ =	shalt  }
.Lfunc_end0:
.L_simem_size_0:
called_computation_lowered:
.L_overlay_start_0:
0x88: {  	s2 =	sld [smem:$0x3FD9]  }
0x89: {  	s3 =	sld [smem:$0x3FFE];
	_ =	sdelay $0x1  }
0x8a: {  	s1 =	srdreg.scid  }
0x8b: {  	s0 =	sand.u32 $0x1, s1  }
0x8c: {  	s17 =	sshll.u32 s0, $0xA;
	s2 =	sadd.s32 s3, s2  }
0x8d: {  	s2 =	sadd.s32 s2, s17  }
0x8e: {  	[smem:$0x3FC4] =	sst s2  }
0x8f: {  	_ = 	snop  }
0x90: {  	s2 =	sld [smem:$0x3FC6]  }
0x91: {  	s18 =	sld [smem:$0x3FD0];
	(tm) =	ssettm $0x1  }
0x92: {  	s4 =	sld [smem:$0x3FFB];
	_ =	sdelay $0x3  }
0x93: {  	_ =	strace s4  }
0x94: {  	s4 =	sld [smem:$0x3FFC];
	_ =	sdelay $0x3  }
0x95: {  	_ =	strace s4  }
0x96: {  	s4 =	sld [smem:$0x3FFD];
	_ =	sdelay $0x3  }
0x97: {  	_ =	strace s4  }
0x98: {  	_ =	strace $0x8FFFFFFF  }
0x99: {  	s19 =	sld [smem:$0x3FDB];
	_ =	sdelay $0x1  }
0x9a: {  	s5 =	simm.s32 $_scs_section_size  }
0x9b: {  	s6 =	simm.s32 $_size__tile_overlayer_lowered;
	s7 =	simm.s32 $_tile_overlayer_lowered  }
0x9c: {  	s22 =	simm.s32 $0x1BFF;
	s21 =	sshll.u32 s7, $0x1;
	s4 =	sadd.s32 s5, s19  }
0x9d: {  	s8 =	simm.s32 $0x0;
	s20 =	sshll.u32 s6, $0x1;
	s6 =	sadd.s32 s21, s4  }
0x9e: {  	[timem:s8], [sflag:s22] =	dma.local [hbm:s6], s20  }
0x9f: {  	_ =	swait.ge [sflag:s22], s20  }
0xa0: {  	s5 =	ssub.s32 $0x0, s20;
	[sflag:s22] =	ssyncset.done $0x0  }
0xa1: {  	[sflag:s22] =	ssyncadd.s32 s5;
	_ =	sdelay $0x1  }
0xa2: {  	s23 =	simm.s32 $0x1B8B  }
0xa3: {  	_ =	swait.ge [sflag:s23], $0x1  }
0xa4: {  	[sflag:s23] =	ssyncset.done $0x0  }
0xa5: {  	s25 =	simm.s32 $0x1B8E;
	s24 =	sld [smem:$0x3FFE];
	[sflag:s23] =	ssyncadd.s32 $0xFFFFFFFF  }
0xa6: {  	s26 =	simm.s32 $execute0_lowered;
	[smem:$0x3FD2] =	sst s25  }
0xa7: {  	s6 =	sshll.u32 s26, $0x1;
	_ =	strace $0x80000046;
	[dreg:$0x1] =	wrdreg $0xFFFFFFFF  }
0xa8: {  	s28 =	simm.s32 $_size_execute0_lowered;
	s4 =	sadd.s32 s4, s6;
	[dreg:$0x0] =	wrdreg $0x0  }
0xa9: {  	s6 =	sshll.u32 s28, $0x1;
	[dreg:$0x2] =	wrdreg s4  }
0xaa: {  	[dreg:$0x3] =	wrdreg s6  }
0xab: {  	[dreg:$0x4] =	wrdreg $0xC0  }
0xac: {  	_ =	task [dreg:s8], $0x5FFFF  }
0xad: {  	[dreg:$0x1] =	wrdreg $0xFFFFFFFF  }
0xae: {  	[dreg:$0x0] =	wrdreg $0x60  }
0xaf: {  	[dreg:$0x2] =	wrdreg s24  }
0xb0: {  	[dreg:$0x3] =	wrdreg s18  }
0xb1: {  	[dreg:$0x4] =	wrdreg s2  }
0xb2: {  	[dreg:$0x5] =	wrdreg $0x9  }
0xb3: {  	_ =	task.clear_ibuf [dreg:s8], $0x6FFFF;
	_ =	strace $0x90000046  }
0xb4: {  	s29 =	simm.s32 $0x9;
	_ =	strace $0x80000048  }
0xb5: {  	_ =	swait.ge [sflag:s29], $0x1  }
0xb6: {  	[sflag:s29] =	ssyncadd.s32 $0xFFFFFFFF  }
0xb7: {  	_ =	strace $0x90000048  }
0xb8: {  	_ =	sfence  }
0xb9: {  	s30 =	sld [smem:$0x0];
	_ =	sdelay $0x2  }
0xba: {  	s31 =	sshll.u32 s1, $0xD;
	s1 =	sshrl.u32 s1, $0x2  }
0xbb: {  	s3 =	sand.u32 $0x4000, s31;
	s1 =	sadd.s32 s1, s30  }
0xbc: {  	s0 =	sor.u32 s3, s0;
	s1 =	sshll.u32 s1, $0x11  }
0xbd: {  	s0 =	sor.u32 s1, s0  }
0xbe: {  	s0 =	sadd.s32 $0x8F2B, s0  }
0xbf: {  	[sflag:s0] =	ssyncadd.remote.s32 $0x1  }
0xc0: {  	_ =	sfence.sel $0xFFFF  }
0xc1: {  	[dreg:$0x0] =	wrdreg $0xFFFFFFFF;
	(pc) =	sbr.abs _section_cstart, $3  }
0xc2: {  	[dreg:$0x1] =	wrdreg $0xFFFFFFFF  }
0xc3: {  	_ =	task.clear_ibuf [dreg:s8], $0x2FFFF;
	_ =	strace $0x9FFFFFFF  }
0xc4: {  	(tm) =	ssettm $0x7FFFFFFF  }
0xc5: {  	_ =	shalt  }
tec
execute0_lowered:
.L_overlay_start_1:
0x0: {  	(tag) =	ssettag $0x1  }
0x1: {  	s3 =	rddreg [dreg:$0x0]  }
0x2: {  	s1 =	srdreg.scid;
	s5 =	rddreg [dreg:$0x1]  }
0x3: {  	s0 =	stileid.u32;
	s6 =	rddreg [dreg:$0x2];
	s12 =	simm.s32 $0x2  }
0x4: {  	s13 =	simm.s32 $0x0;
	s4 =	sand.u32 $0x1, s1;
	s30 =	sshll.u32 s0, $0x6  }
0x5: {  	s1 =	rddreg [dreg:$0x3];
	s2 =	sshll.u32 s4, $0x5;
	s4 =	ssub.s32 $0x2, s4  }
0x6: {  	s7 =	sor.u32 s2, s30;
	s2 =	simm.s32 $0x0;
	s31 =	sshrl.u32 s4, $0x1  }
0x7: {  	v0 =	vimm.f32 $0.0e+00;
	v1 =	vimm.f32 $4.999999890e-03;
	v2 =	vlaneseq.u32;
	s8 =	sshrl.u32 s7, $0x3;
	[smem:$0x7FF] =	sst s2;
	s9 =	sshll.u32 s7, $0x4  }
0x8: {  	vm0 =	vcmask $0x3F30;
	vm1 =	vcmask $0x3F20;
	vm2 =	vcmask $0x3F3C;
	s7 =	sshll.u32 s7, $0x5;
	s11 =	ssub.s32 s4, s31;
	s10 =	smul.u32 $0x180, s8  }
0x9: {  	v3 =	vor.u32 $0x10, v2;
	v4 =	vor.u32 $0x20, v2;
	v5 =	vor.u32 $0x30, v2;
	_ =	strace $0x80000047;
	s9 =	sadd.s32 s9, s3;
	s4 =	sadd.s32 s5, s7  }
0xa: {  	v6 =	vor.u32 $0x40, v2;
	v7 =	vor.u32 $0x50, v2;
	v8 =	vor.u32 $0x60, v2;
	s5 =	sadd.s32 s6, s8;
	s7 =	smax.u32 s11, $0x1;
	s8 =	simm.s32 $0x1000  }
0xb: {  	v9 =	vor.u32 $0x70, v2;
	v10 =	vor.u32 $0x80, v2;
	v11 =	vor.u32 $0x90, v2;
	s11 =	simm.s32 $0x3080;
	s10 =	sadd.s32 s10, s3;
	s3 =	sadd.s32 $0x800, s9  }
0xc: {  	v12 =	vor.u32 $0xA0, v2;
	v13 =	vor.u32 $0xB0, v2;
	v14 =	vadd.s32 $0xB8, v2;
	s9 =	simm.s32 $0x3000;
	s6 =	sadd.s32 $0x4800, s10;
	s10 =	simm.s32 $0x1  }
.LBB2_1:
0xd: {  	[tilespmem:s2], [sflag:$0x1] =	stream.linear.gather [hbm4b:s3+s2], $0x1000, $0x38;
	[tilespmem:$0x6080] =	vst v63  }
0xe: {  	_ = 	snop  }
0xf: {  	[tilespmem:s8], [sflag:$0x1] =	stream.linear.gather [hbm4b:s4+s2], $0x2000, $0x38;
	[tilespmem:$0x6080] =	vst v63  }
0x10: {  	_ = 	snop  }
0x11: {  	[tilespmem:s9], [sflag:$0x1] =	stream.linear.gather [hbm4b:s5+s2], $0x20, $0x38;
	[tilespmem:$0x6080] =	vst v63  }
0x12: {  	_ =	swait.ge [sflag:s10], $0x1000  }
0x13: {  	[sflag:s10] =	ssyncset.done $0x0  }
0x14: {  	[sflag:s10] =	ssyncadd.s32 $0xFFFFF000  }
0x15: {  	_ =	swait.ge [sflag:s10], $0x2000  }
0x16: {  	[sflag:s10] =	ssyncset.done $0x0  }
0x17: {  	[sflag:s10] =	ssyncadd.s32 $0xFFFFE000  }
0x18: {  	_ =	swait.ge [sflag:s10], $0x20  }
0x19: {  	s14 =	simm.s32 $0x100;
	[sflag:s10] =	ssyncset.done $0x0  }
0x1a: {  	s15 =	simm.s32 $0x0;
	s16 =	simm.s32 $0x0;
	[sflag:s10] =	ssyncadd.s32 $0xFFFFFFE0  }
.LBB2_2:
0x1b: {  	s17 =	sshrl.u32 s16, $0x3  }
0x1c: {  	s17 =	smul.u32 $0x3000, s17;
	_ =	sdelay $0x1  }
0x1d: {  	s17 =	sshra.s32 s17, $0x2  }
0x1e: {  	s20 =	sand.u32 $0x200, s15;
	s24 =	sadd.s32 $0x3080, s17  }
0x1f: {  	s18 =	sor.u32 s20, s24  }
0x20: {  	[tilespmem:s18+$0x0] =	vst v0  }
0x21: {  	[tilespmem:s18+$0x10] =	vst v0  }
0x22: {  	[tilespmem:s18+$0x20] =	vst v0  }
0x23: {  	[tilespmem:s18+$0x30] =	vst v0  }
0x24: {  	[tilespmem:s18+$0x40] =	vst v0  }
0x25: {  	[tilespmem:s18+$0x50] =	vst v0  }
0x26: {  	s23 =	sadd.s32 $0x3480, s17;
	[tilespmem:s18+$0x60] =	vst v0  }
0x27: {  	s26 =	sor.u32 s20, s23;
	[tilespmem:s18+$0x70] =	vst v0  }
0x28: {  	[tilespmem:s26+$0x0] =	vst v0  }
0x29: {  	[tilespmem:s26+$0x10] =	vst v0  }
0x2a: {  	[tilespmem:s26+$0x20] =	vst v0  }
0x2b: {  	[tilespmem:s26+$0x30] =	vst v0  }
0x2c: {  	[tilespmem:s26+$0x40] =	vst v0  }
0x2d: {  	[tilespmem:s26+$0x50] =	vst v0  }
0x2e: {  	s22 =	sadd.s32 $0x3880, s17;
	[tilespmem:s26+$0x60] =	vst v0  }
0x2f: {  	s17 =	sor.u32 s20, s22;
	[tilespmem:s26+$0x70] =	vst v0  }
0x30: {  	[tilespmem:s17+$0x0] =	vst v0  }
0x31: {  	[tilespmem:s17+$0x10] =	vst v0  }
0x32: {  	[tilespmem:s17+$0x1D] =	vst v0  }
0x33: {  	v17 =	vld [tilespmem:s14+$0xFFFFFF00];
	_ =	sdelay $0x2  }
0x34: {  	v18 =	vmov s16  }
0x35: {  	v30 =	vshll.u32 v18, $0x7  }
0x36: {  	v15 =	vshrl.u32 v17, $0x8;
	v19 =	vshrl.u32 v17, $0x10;
	v20 =	vshrl.u32 v17, $0x18  }
0x37: {  	v21 =	vshll.u32 v17, $0x3;
	v22 =	vand.u32 $0x7F, v17;
	v17 =	vshrl.u32 v17, $0xD  }
0x38: {  	v16 =	vand.u32 $0xFF, v15;
	v15 =	vshrl.u32 v18, $0x3;
	v21 =	vand.u32 $0x400, v21  }
0x39: {  	v20 =	vadd.s32 $0xC8, v20;
	v17 =	vand.u32 $0x400, v17;
	v19 =	vand.u32 $0x7F, v19  }
0x3a: {  	v15 =	vmul.u32 $0xC00, v15;
	v23 =	vadd.s32 $0xC8, v16;
	v16 =	vand.u32 $0x200, v30  }
0x3b: {  	v32 =	vshll.u32 v20, $0x3;
	v33 =	vand.u32 $0x7F, v20;
	v24 =	vshll.u32 v23, $0x3  }
0x3c: {  	v23 =	vand.u32 $0x7F, v23;
	v21 =	vadd.s32 v15, v21;
	v31 =	vand.u32 $0xC00, v24  }
0x3d: {  	v17 =	vadd.s32 v15, v17;
	v21 =	vor.u32 v22, v21;
	v22 =	vadd.s32 v15, v31  }
0x3e: {  	v21 =	vor.u32 v16, v21;
	v22 =	vor.u32 v23, v22;
	v23 =	vand.u32 $0xC00, v32  }
0x3f: {  	v17 =	vor.u32 v19, v17;
	v22 =	vor.u32 v16, v22;
	v34 =	vadd.s32 v15, v23  }
0x40: {  	v17 =	vor.u32 v16, v17;
	v19 =	vor.u32 v33, v34  }
0x41: {  	v20 =	vor.u32 v16, v19  }
0x42: {  	v19 =	vld.idx.msk [tilespmem:v18+s9+$0x0], $0xffff  }
0x43: {  	[tilespmem:v21+s11+$0x0] =	vst.idx.add.f32.msk $0xffff, v1  }
0x44: {  	[tilespmem:v22+s11+$0x0] =	vst.idx.add.f32.msk $0xffff, v1  }
0x45: {  	[tilespmem:v17+s11+$0x0] =	vst.idx.add.f32.msk $0xffff, v1  }
0x46: {  	[tilespmem:v20+s11+$0x0] =	vst.idx.add.f32.msk $0xffff, v1  }
0x47: {  	v17 =	vld [tilespmem:s14+$0xFFFFFF10];
	_ =	sdelay $0x4  }
0x48: {  	v35 =	vshrl.u32 v17, $0x8;
	v36 =	vshll.u32 v17, $0x3;
	v37 =	vshrl.u32 v17, $0x10  }
0x49: {  	v38 =	vand.u32 $0x7F, v17;
	v40 =	vshrl.u32 v17, $0x18;
	v17 =	vshrl.u32 v17, $0xD  }
0x4a: {  	v18 =	vand.u32 $0xFF, v35;
	v20 =	vand.u32 $0x400, v36;
	v42 =	vadd.s32 $0xC8, v40  }
0x4b: {  	v17 =	vand.u32 $0x400, v17;
	v21 =	vand.u32 $0x7F, v37;
	v18 =	vadd.s32 $0xC8, v18  }
0x4c: {  	v20 =	vadd.s32 v15, v20;
	v43 =	vshll.u32 v42, $0x3;
	v39 =	vshll.u32 v18, $0x3  }
0x4d: {  	v17 =	vadd.s32 v15, v17;
	v44 =	vand.u32 $0x7F, v42;
	v41 =	vand.u32 $0xC00, v39  }
0x4e: {  	s28 =	sadd.s32 $0x80, s15;
	v20 =	vor.u32 v38, v20;
	v18 =	vand.u32 $0x7F, v18;
	v22 =	vadd.s32 v15, v41  }
0x4f: {  	s17 =	sand.u32 $0x280, s28;
	v23 =	vand.u32 $0xC00, v43;
	v20 =	vor.u32 v16, v20;
	v18 =	vor.u32 v18, v22  }
0x50: {  	s29 =	sadd.s32 s17, s24;
	v17 =	vor.u32 v21, v17;
	v45 =	vadd.s32 v15, v23;
	v18 =	vor.u32 v16, v18  }
0x51: {  	[tilespmem:s29+$0x0] =	vst v0;
	v17 =	vor.u32 v16, v17;
	v21 =	vor.u32 v44, v45  }
0x52: {  	[tilespmem:s29+$0x10] =	vst v0;
	v21 =	vor.u32 v16, v21  }
0x53: {  	[tilespmem:s29+$0x20] =	vst v0  }
0x54: {  	[tilespmem:v20+s11+$0x0] =	vst.idx.add.f32.msk $0xffff, v1  }
0x55: {  	[tilespmem:v18+s11+$0x0] =	vst.idx.add.f32.msk $0xffff, v1  }
0x56: {  	[tilespmem:v17+s11+$0x0] =	vst.idx.add.f32.msk $0xffff, v1  }
0x57: {  	[tilespmem:v21+s11+$0x0] =	vst.idx.add.f32.msk $0xffff, v1  }
0x58: {  	[tilespmem:s29+$0x30] =	vst v0;
	v17 =	vld [tilespmem:s14+$0xFFFFFF20]  }
0x59: {  	[tilespmem:s29+$0x40] =	vst v0  }
0x5a: {  	[tilespmem:s29+$0x50] =	vst v0  }
0x5b: {  	[tilespmem:s29+$0x60] =	vst v0  }
0x5c: {  	s30 =	sadd.s32 s17, s23;
	[tilespmem:s29+$0x70] =	vst v0  }
0x5d: {  	[tilespmem:s30+$0x0] =	vst v0;
	v46 =	vshrl.u32 v17, $0x8;
	v47 =	vshll.u32 v17, $0x3;
	v48 =	vshrl.u32 v17, $0x10  }
0x5e: {  	[tilespmem:s30+$0x10] =	vst v0;
	v49 =	vand.u32 $0x7F, v17;
	v51 =	vshrl.u32 v17, $0x18;
	v17 =	vshrl.u32 v17, $0xD  }
0x5f: {  	[tilespmem:s30+$0x20] =	vst v0;
	v18 =	vand.u32 $0xFF, v46;
	v20 =	vand.u32 $0x400, v47;
	v53 =	vadd.s32 $0xC8, v51  }
0x60: {  	[tilespmem:s30+$0x30] =	vst v0;
	v17 =	vand.u32 $0x400, v17;
	v21 =	vand.u32 $0x7F, v48;
	v18 =	vadd.s32 $0xC8, v18  }
0x61: {  	[tilespmem:s30+$0x40] =	vst v0;
	v20 =	vadd.s32 v15, v20;
	v54 =	vshll.u32 v53, $0x3;
	v50 =	vshll.u32 v18, $0x3  }
0x62: {  	[tilespmem:s30+$0x50] =	vst v0;
	v17 =	vadd.s32 v15, v17;
	v55 =	vand.u32 $0x7F, v53;
	v52 =	vand.u32 $0xC00, v50  }
0x63: {  	[tilespmem:s30+$0x60] =	vst v0;
	v20 =	vor.u32 v49, v20;
	v18 =	vand.u32 $0x7F, v18;
	v22 =	vadd.s32 v15, v52  }
0x64: {  	s31 =	sadd.s32 s17, s22;
	[tilespmem:s30+$0x70] =	vst v0;
	v23 =	vand.u32 $0xC00, v54;
	v20 =	vor.u32 v16, v20;
	v18 =	vor.u32 v18, v22  }
0x65: {  	[tilespmem:s31+$0x0] =	vst v0;
	v17 =	vor.u32 v21, v17;
	v56 =	vadd.s32 v15, v23;
	v18 =	vor.u32 v16, v18  }
0x66: {  	[tilespmem:s31+$0x10] =	vst v0;
	v17 =	vor.u32 v16, v17;
	v21 =	vor.u32 v55, v56  }
0x67: {  	[tilespmem:s31+$0x1D] =	vst v0;
	v21 =	vor.u32 v16, v21  }
0x68: {  	v63 =	vld [tilespmem:s14+$0xFFFFFF80]  }
0x69: {  	[tilespmem:v20+s11+$0x0] =	vst.idx.add.f32.msk $0xffff, v1  }
0x6a: {  	[tilespmem:v18+s11+$0x0] =	vst.idx.add.f32.msk $0xffff, v1  }
0x6b: {  	[tilespmem:v17+s11+$0x0] =	vst.idx.add.f32.msk $0xffff, v1  }
0x6c: {  	[tilespmem:v21+s11+$0x0] =	vst.idx.add.f32.msk $0xffff, v1  }
0x6d: {  	v17 =	vld [tilespmem:s14+$0xFFFFFF30];
	_ =	sdelay $0x2  }
0x6e: {  	v26 =	vshrl.u32 v63, $0x10  }
0x6f: {  	v27 =	vshrl.u32 v63, $0x18;
	v28 =	vshll.u32 v63, $0x3;
	v29 =	vand.u32 $0x7F, v63  }
0x70: {  	v57 =	vshrl.u32 v17, $0x8;
	v58 =	vshll.u32 v17, $0x3;
	v59 =	vshrl.u32 v17, $0x10  }
0x71: {  	v60 =	vand.u32 $0x7F, v17;
	v61 =	vshrl.u32 v17, $0x18;
	v17 =	vshrl.u32 v17, $0xD  }
0x72: {  	v18 =	vand.u32 $0xFF, v57;
	v20 =	vand.u32 $0x400, v58;
	v23 =	vadd.s32 $0xC8, v61  }
0x73: {  	v17 =	vand.u32 $0x400, v17;
	v21 =	vand.u32 $0x7F, v59;
	v18 =	vadd.s32 $0xC8, v18  }
0x74: {  	v20 =	vadd.s32 v15, v20;
	v33 =	vshll.u32 v23, $0x3;
	v62 =	vshll.u32 v18, $0x3  }
0x75: {  	v17 =	vadd.s32 v15, v17;
	v34 =	vand.u32 $0x7F, v23;
	v22 =	vand.u32 $0xC00, v62  }
0x76: {  	v20 =	vor.u32 v60, v20;
	v18 =	vand.u32 $0x7F, v18;
	v22 =	vadd.s32 v15, v22  }
0x77: {  	v20 =	vor.u32 v16, v20;
	v18 =	vor.u32 v18, v22;
	v22 =	vand.u32 $0xC00, v33  }
0x78: {  	v17 =	vor.u32 v21, v17;
	v22 =	vadd.s32 v15, v22;
	v18 =	vor.u32 v16, v18  }
0x79: {  	v38 =	vshrl.u32 v63, $0x8;
	v35 =	vor.u32 v16, v17;
	v36 =	vor.u32 v34, v22  }
0x7a: {  	s19 =	sadd.s32 $0x1, s16;
	v28 =	vand.u32 $0x400, v28;
	v25 =	vand.u32 $0xFF, v38;
	v21 =	vor.u32 v16, v36  }
0x7b: {  	v26 =	vand.u32 $0x7F, v26;
	v37 =	vmov s19;
	v25 =	vadd.s32 $0xC8, v25  }
0x7c: {  	v39 =	vshrl.u32 v37, $0x3;
	v41 =	vshll.u32 v37, $0x7;
	v30 =	vshll.u32 v25, $0x3;
	[tilespmem:v20+s11+$0x0] =	vst.idx.add.f32.msk $0xffff, v1  }
0x7d: {  	v44 =	vand.u32 $0x7F, v25;
	v47 =	vadd.s32 $0xC8, v27;
	v17 =	vmul.u32 $0xC00, v39;
	[tilespmem:v18+s11+$0x0] =	vst.idx.add.f32.msk $0xffff, v1  }
0x7e: {  	v42 =	vand.u32 $0xC00, v30;
	v46 =	vshrl.u32 v63, $0xD;
	v51 =	vshll.u32 v47, $0x3;
	[tilespmem:v35+s11+$0x0] =	vst.idx.add.f32.msk $0xffff, v1  }
0x7f: {  	v24 =	vand.u32 $0x7F, v47;
	v50 =	vand.u32 $0x400, v46;
	v40 =	vadd.s32 v17, v28;
	[tilespmem:v21+s11+$0x0] =	vst.idx.add.f32.msk $0xffff, v1  }
0x80: {  	v45 =	vadd.s32 v17, v42;
	v20 =	vor.u32 v29, v40;
	v18 =	vand.u32 $0x280, v41;
	v48 =	vld [tilespmem:s14+$0xFFFFFF40]  }
0x81: {  	v43 =	vor.u32 v18, v20;
	v20 =	vor.u32 v44, v45;
	v21 =	vand.u32 $0xC00, v51  }
0x82: {  	v49 =	vor.u32 v18, v20;
	v20 =	vadd.s32 v17, v50;
	v21 =	vadd.s32 v17, v21  }
0x83: {  	v20 =	vor.u32 v26, v20;
	v52 =	vor.u32 v24, v21  }
0x84: {  	v26 =	vor.u32 v18, v20;
	v21 =	vor.u32 v18, v52  }
0x85: {  	v53 =	vshrl.u32 v48, $0x8;
	v55 =	vshll.u32 v48, $0x3;
	v56 =	vshrl.u32 v48, $0x10  }
0x86: {  	v20 =	vld.idx.msk [tilespmem:v37+s9+$0x0], $0xffff;
	v57 =	vand.u32 $0x7F, v48;
	v59 =	vshrl.u32 v48, $0x18;
	v29 =	vshrl.u32 v48, $0xD  }
0x87: {  	[tilespmem:v43+s11+$0x0] =	vst.idx.add.f32.msk $0xffff, v1;
	v54 =	vand.u32 $0xFF, v53;
	v24 =	vand.u32 $0x400, v55;
	v30 =	vadd.s32 $0xC8, v59  }
0x88: {  	[tilespmem:v49+s11+$0x0] =	vst.idx.add.f32.msk $0xffff, v1;
	v23 =	vand.u32 $0x7F, v56;
	v22 =	vadd.s32 $0xC8, v54;
	v24 =	vadd.s32 v15, v24  }
0x89: {  	[tilespmem:v26+s11+$0x0] =	vst.idx.add.f32.msk $0xffff, v1;
	v26 =	vshll.u32 v30, $0x3;
	v31 =	vand.u32 $0x7F, v30;
	v58 =	vshll.u32 v22, $0x3  }
0x8a: {  	[tilespmem:v21+s11+$0x0] =	vst.idx.add.f32.msk $0xffff, v1;
	v24 =	vor.u32 v57, v24;
	v22 =	vand.u32 $0x7F, v22;
	v60 =	vand.u32 $0xC00, v58  }
0x8b: {  	v63 =	vld [tilespmem:s14+$0xFFFFFF90];
	v61 =	vor.u32 v16, v24;
	v24 =	vand.u32 $0x400, v29;
	v62 =	vadd.s32 v15, v60  }
0x8c: {  	v26 =	vand.u32 $0xC00, v26;
	v24 =	vadd.s32 v15, v24;
	v22 =	vor.u32 v22, v62  }
0x8d: {  	v32 =	vadd.s32 v15, v26;
	v23 =	vor.u32 v23, v24;
	v22 =	vor.u32 v16, v22  }
0x8e: {  	v24 =	vor.u32 v31, v32;
	v23 =	vor.u32 v16, v23  }
0x8f: {  	v24 =	vor.u32 v16, v24  }
0x90: {  	v33 =	vshrl.u32 v63, $0x8;
	v34 =	vshll.u32 v63, $0x3;
	v35 =	vshrl.u32 v63, $0x10  }
0x91: {  	v36 =	vand.u32 $0x7F, v63;
	v38 =	vshrl.u32 v63, $0x18;
	v25 =	vand.u32 $0xFF, v33;
	[tilespmem:v61+s11+$0x0] =	vst.idx.add.f32.msk $0xffff, v1  }
0x92: {  	v42 =	vshrl.u32 v63, $0xD;
	v26 =	vand.u32 $0x400, v34;
	v25 =	vadd.s32 $0xC8, v25;
	[tilespmem:v22+s11+$0x0] =	vst.idx.add.f32.msk $0xffff, v1  }
0x93: {  	v45 =	vand.u32 $0x7F, v35;
	v26 =	vadd.s32 v17, v26;
	v37 =	vshll.u32 v25, $0x3;
	[tilespmem:v23+s11+$0x0] =	vst.idx.add.f32.msk $0xffff, v1  }
0x94: {  	v21 =	vor.u32 v36, v26;
	v40 =	vand.u32 $0x7F, v25;
	v39 =	vand.u32 $0xC00, v37;
	[tilespmem:v24+s11+$0x0] =	vst.idx.add.f32.msk $0xffff, v1  }
0x95: {  	v21 =	vor.u32 v18, v21;
	v22 =	vadd.s32 $0xC8, v38;
	v41 =	vadd.s32 v17, v39;
	v43 =	vld [tilespmem:s14+$0xFFFFFF50]  }
0x96: {  	v44 =	vshll.u32 v22, $0x3;
	v22 =	vand.u32 $0x7F, v22;
	v24 =	vand.u32 $0x400, v42  }
0x97: {  	v23 =	vor.u32 v40, v41;
	v26 =	vand.u32 $0xC00, v44;
	v24 =	vadd.s32 v17, v24  }
0x98: {  	v23 =	vor.u32 v18, v23;
	v26 =	vadd.s32 v17, v26;
	v24 =	vor.u32 v45, v24  }
0x99: {  	v22 =	vor.u32 v22, v26;
	v24 =	vor.u32 v18, v24  }
0x9a: {  	v22 =	vor.u32 v18, v22;
	v46 =	vshrl.u32 v43, $0x8  }
0x9b: {  	v47 =	vshll.u32 v43, $0x3;
	v48 =	vshrl.u32 v43, $0x10;
	v49 =	vand.u32 $0x7F, v43  }
0x9c: {  	[tilespmem:v21+s11+$0x0] =	vst.idx.add.f32.msk $0xffff, v1;
	v51 =	vshrl.u32 v43, $0x18;
	v25 =	vshrl.u32 v43, $0xD;
	v26 =	vand.u32 $0xFF, v46  }
0x9d: {  	[tilespmem:v23+s11+$0x0] =	vst.idx.add.f32.msk $0xffff, v1;
	v27 =	vand.u32 $0x400, v47;
	v25 =	vand.u32 $0x400, v25;
	v21 =	vand.u32 $0x7F, v48  }
0x9e: {  	v26 =	vadd.s32 $0xC8, v26;
	v27 =	vadd.s32 v15, v27;
	[tilespmem:v24+s11+$0x0] =	vst.idx.add.f32.msk $0xffff, v1;
	v24 =	vadd.s32 $0xC8, v51  }
0x9f: {  	s21 =	sadd.s32 $0x100, s15;
	v25 =	vadd.s32 v15, v25;
	v50 =	vshll.u32 v26, $0x3;
	v23 =	vor.u32 v49, v27;
	[tilespmem:v22+s11+$0x0] =	vst.idx.add.f32.msk $0xffff, v1  }
0xa0: {  	s19 =	sand.u32 $0x300, s21;
	v54 =	vand.u32 $0x7F, v26;
	v57 =	vshll.u32 v24, $0x3;
	v52 =	vand.u32 $0xC00, v50;
	v56 =	vld [tilespmem:s14+$0xFFFFFFA0]  }
0xa1: {  	s21 =	sor.u32 s19, s24;
	v24 =	vand.u32 $0x7F, v24;
	v26 =	vand.u32 $0xC00, v57;
	v55 =	vadd.s32 v15, v52  }
0xa2: {  	[tilespmem:s21+$0x0] =	vst v0;
	v53 =	vor.u32 v16, v23;
	v58 =	vadd.s32 v15, v26;
	v23 =	vor.u32 v54, v55  }
0xa3: {  	[tilespmem:s21+$0x10] =	vst v0;
	v21 =	vor.u32 v21, v25;
	v24 =	vor.u32 v24, v58;
	v23 =	vor.u32 v16, v23  }
0xa4: {  	[tilespmem:s21+$0x20] =	vst v0;
	v21 =	vor.u32 v16, v21;
	v24 =	vor.u32 v16, v24  }
0xa5: {  	[tilespmem:s21+$0x30] =	vst v0;
	v59 =	vshrl.u32 v56, $0x8;
	v60 =	vshll.u32 v56, $0x3;
	v61 =	vshrl.u32 v56, $0x10  }
0xa6: {  	[tilespmem:s21+$0x40] =	vst v0;
	v62 =	vand.u32 $0x7F, v56;
	v32 =	vshrl.u32 v56, $0x18;
	v25 =	vand.u32 $0xFF, v59  }
0xa7: {  	[tilespmem:v53+s11+$0x0] =	vst.idx.add.f32.msk $0xffff, v1;
	v37 =	vshrl.u32 v56, $0xD;
	v26 =	vand.u32 $0x400, v60;
	v25 =	vadd.s32 $0xC8, v25  }
0xa8: {  	v40 =	vand.u32 $0x7F, v61;
	v26 =	vadd.s32 v17, v26;
	v63 =	vshll.u32 v25, $0x3;
	[tilespmem:v23+s11+$0x0] =	vst.idx.add.f32.msk $0xffff, v1  }
0xa9: {  	v22 =	vor.u32 v62, v26;
	v35 =	vand.u32 $0x7F, v25;
	v23 =	vadd.s32 $0xC8, v32;
	[tilespmem:v21+s11+$0x0] =	vst.idx.add.f32.msk $0xffff, v1  }
0xaa: {  	v33 =	vand.u32 $0xC00, v63;
	v34 =	vor.u32 v18, v22;
	v39 =	vshll.u32 v23, $0x3;
	[tilespmem:v24+s11+$0x0] =	vst.idx.add.f32.msk $0xffff, v1  }
0xab: {  	[tilespmem:s21+$0x50] =	vst v0;
	v23 =	vand.u32 $0x7F, v23;
	v36 =	vadd.s32 v17, v33;
	v24 =	vand.u32 $0x400, v37;
	v38 =	vld [tilespmem:s14+$0xFFFFFF54]  }
0xac: {  	[tilespmem:s21+$0x60] =	vst v0;
	v26 =	vand.u32 $0xC00, v39;
	v22 =	vor.u32 v35, v36;
	v24 =	vadd.s32 v17, v24  }
0xad: {  	s26 =	sor.u32 s19, s23;
	[tilespmem:s21+$0x70] =	vst v0;
	v26 =	vadd.s32 v17, v26;
	v22 =	vor.u32 v18, v22;
	v24 =	vor.u32 v40, v24  }
0xae: {  	[tilespmem:s26+$0x0] =	vst v0;
	v23 =	vor.u32 v23, v26;
	v24 =	vor.u32 v18, v24  }
0xaf: {  	[tilespmem:s26+$0x10] =	vst v0;
	v23 =	vor.u32 v18, v23  }
0xb0: {  	[tilespmem:s26+$0x20] =	vst v0;
	v41 =	vshrl.u32 v38, $0x8;
	v42 =	vshll.u32 v38, $0x3;
	v43 =	vshrl.u32 v38, $0x10  }
0xb1: {  	[tilespmem:v34+s11+$0x0] =	vst.idx.add.f32.msk $0xffff, v1;
	v44 =	vand.u32 $0x7F, v38;
	v46 =	vshrl.u32 v38, $0x18;
	v25 =	vshrl.u32 v38, $0xD  }
0xb2: {  	v26 =	vand.u32 $0xFF, v41;
	v27 =	vand.u32 $0x400, v42;
	[tilespmem:v22+s11+$0x0] =	vst.idx.add.f32.msk $0xffff, v1;
	v25 =	vand.u32 $0x400, v25  }
0xb3: {  	v21 =	vand.u32 $0x7F, v43;
	v26 =	vadd.s32 $0xC8, v26;
	v27 =	vadd.s32 v15, v27;
	[tilespmem:v24+s11+$0x0] =	vst.idx.add.f32.msk $0xffff, v1  }
0xb4: {  	v24 =	vadd.s32 $0xC8, v46;
	v25 =	vadd.s32 v15, v25;
	v45 =	vshll.u32 v26, $0x3;
	[tilespmem:v23+s11+$0x0] =	vst.idx.add.f32.msk $0xffff, v1  }
0xb5: {  	[tilespmem:s26+$0x30] =	vst v0;
	v22 =	vor.u32 v44, v27;
	v48 =	vand.u32 $0x7F, v26;
	v51 =	vshll.u32 v24, $0x3;
	v50 =	vld [tilespmem:s14+$0xFFFFFFB0]  }
0xb6: {  	[tilespmem:s26+$0x40] =	vst v0;
	v21 =	vor.u32 v21, v25;
	v47 =	vand.u32 $0xC00, v45;
	v26 =	vand.u32 $0xC00, v51  }
0xb7: {  	[tilespmem:s26+$0x50] =	vst v0;
	v24 =	vand.u32 $0x7F, v24;
	v49 =	vadd.s32 v15, v47;
	v52 =	vadd.s32 v15, v26  }
0xb8: {  	[tilespmem:s26+$0x60] =	vst v0;
	v22 =	vor.u32 v16, v22;
	v23 =	vor.u32 v48, v49;
	v24 =	vor.u32 v24, v52  }
0xb9: {  	s28 =	sor.u32 s19, s22;
	[tilespmem:s26+$0x70] =	vst v0;
	v21 =	vor.u32 v16, v21;
	v23 =	vor.u32 v16, v23;
	v24 =	vor.u32 v16, v24  }
0xba: {  	[tilespmem:s28+$0x0] =	vst v0;
	v53 =	vshrl.u32 v50, $0x8;
	v54 =	vshll.u32 v50, $0x3;
	v55 =	vshrl.u32 v50, $0x10  }
0xbb: {  	[tilespmem:s28+$0x10] =	vst v0;
	v56 =	vand.u32 $0x7F, v50;
	v31 =	vshrl.u32 v50, $0x18;
	v27 =	vshrl.u32 v50, $0xD  }
0xbc: {  	[tilespmem:s28+$0x1D] =	vst v0;
	v25 =	vand.u32 $0xFF, v53;
	v26 =	vand.u32 $0x400, v54;
	v59 =	vadd.s32 $0xC8, v31  }
0xbd: {  	v45 =	vld [tilespmem:s14+$0x0];
	v27 =	vand.u32 $0x400, v27;
	v28 =	vand.u32 $0x7F, v55;
	v25 =	vadd.s32 $0xC8, v25  }
0xbe: {  	s25 =	sshll.u32 s16, $0x8;
	[tilespmem:v22+s11+$0x0] =	vst.idx.add.f32.msk vm0, v1;
	v26 =	vadd.s32 v17, v26;
	v60 =	vshll.u32 v59, $0x3;
	v57 =	vshll.u32 v25, $0x3  }
0xbf: {  	s18 =	sand.u32 $0x3FFFF800, s25;
	v27 =	vadd.s32 v17, v27;
	v62 =	vand.u32 $0x7F, v59;
	[tilespmem:v23+s11+$0x0] =	vst.idx.add.f32.msk vm0, v1;
	v58 =	vand.u32 $0xC00, v57  }
0xc0: {  	s18 =	sadd.s32 $0x1000, s18;
	s30 =	sadd.s32 $0x180, s15;
	v26 =	vor.u32 v56, v26;
	v25 =	vand.u32 $0x7F, v25;
	[tilespmem:v21+s11+$0x0] =	vst.idx.add.f32.msk vm0, v1;
	v29 =	vadd.s32 v17, v58  }
0xc1: {  	s20 =	sor.u32 s20, s18;
	s21 =	sand.u32 $0x380, s30;
	v30 =	vand.u32 $0xC00, v60;
	v26 =	vor.u32 v18, v26;
	[tilespmem:v24+s11+$0x0] =	vst.idx.add.f32.msk vm0, v1;
	v25 =	vor.u32 v25, v29  }
0xc2: {  	s24 =	sadd.s32 s21, s24;
	v61 =	vor.u32 v28, v27;
	v63 =	vadd.s32 v17, v30;
	v32 =	vld [tilespmem:s20+$0x0];
	v25 =	vor.u32 v18, v25  }
0xc3: {  	[tilespmem:s24+$0x0] =	vst v0;
	v22 =	vor.u32 v18, v61;
	v30 =	vor.u32 v62, v63;
	v33 =	vld [tilespmem:s20+$0x10]  }
0xc4: {  	[tilespmem:s24+$0x10] =	vst v0;
	v31 =	vor.u32 v18, v30;
	v24 =	vld [tilespmem:s20+$0x20]  }
0xc5: {  	[tilespmem:s24+$0x20] =	vst v0;
	v34 =	vld [tilespmem:s20+$0x30]  }
0xc6: {  	[tilespmem:v26+s11+$0x0] =	vst.idx.add.f32.msk $0xffff, v1  }
0xc7: {  	s29 =	sadd.s32 $0x2, s16;
	vm3 =	vgt.s32 v19, $0x1;
	vm4 =	vgt.s32 v19, v3;
	v50 =	vshrl.u32 v45, $0x8;
	[tilespmem:v25+s11+$0x0] =	vst.idx.add.f32.msk $0xffff, v1  }
0xc8: {  	v49 =	vmov s29;
	v52 =	vshrl.u32 v45, $0x10;
	v51 =	vand.u32 $0xFF, v50;
	[tilespmem:v22+s11+$0x0] =	vst.idx.add.f32.msk $0xffff, v1  }
0xc9: {  	v53 =	vshrl.u32 v49, $0x3;
	v21 =	vnsel vm3, $0x1, v19;
	v22 =	vadd.f32 $0.0e+00, v32;
	[tilespmem:v31+s11+$0x0] =	vst.idx.add.f32.msk $0xffff, v1  }
0xca: {  	[tilespmem:s24+$0x30] =	vst v0;
	v54 =	vshrl.u32 v45, $0x18;
	v57 =	vshll.u32 v49, $0x7;
	vm3 =	vgt.u32 v21, v2;
	v25 =	vld [tilespmem:s14+$0xFFFFFFC0]  }
0xcb: {  	[tilespmem:s24+$0x40] =	vst v0;
	v29 =	vshrl.u32 v45, $0xD;
	v23 =	vnsel vm4, $0x0, v33;
	v22 =	vnsel vm3, $0x0, v22  }
0xcc: {  	[tilespmem:s24+$0x50] =	vst v0;
	v29 =	vand.u32 $0x400, v29;
	vm3 =	vgt.s32 v19, v4;
	v22 =	vadd.f32 v23, v22  }
0xcd: {  	[tilespmem:s24+$0x60] =	vst v0;
	v33 =	vand.u32 $0x7F, v45;
	v35 =	vnsel vm3, $0x0, v24;
	vm3 =	vgt.s32 v19, v5  }
0xce: {  	s23 =	sadd.s32 s21, s23;
	[tilespmem:s24+$0x70] =	vst v0;
	v32 =	vshll.u32 v45, $0x3;
	v37 =	vnsel vm3, $0x0, v34;
	v22 =	vadd.f32 v35, v22  }
0xcf: {  	[tilespmem:s23+$0x0] =	vst v0;
	v36 =	vshrl.u32 v25, $0x8;
	v38 =	vshll.u32 v25, $0x3;
	v39 =	vshrl.u32 v25, $0x10  }
0xd0: {  	[tilespmem:s23+$0x10] =	vst v0;
	v40 =	vand.u32 $0x7F, v25;
	v42 =	vshrl.u32 v25, $0x18;
	v25 =	vshrl.u32 v25, $0xD  }
0xd1: {  	[tilespmem:s23+$0x20] =	vst v0;
	v23 =	vand.u32 $0xFF, v36;
	v26 =	vand.u32 $0x400, v38;
	v44 =	vadd.s32 $0xC8, v42  }
0xd2: {  	[tilespmem:s23+$0x30] =	vst v0;
	v25 =	vand.u32 $0x400, v25;
	v27 =	vand.u32 $0x7F, v39;
	v23 =	vadd.s32 $0xC8, v23  }
0xd3: {  	[tilespmem:s23+$0x40] =	vst v0;
	v26 =	vadd.s32 v17, v26;
	v30 =	vshll.u32 v44, $0x3;
	v41 =	vshll.u32 v23, $0x3  }
0xd4: {  	[tilespmem:s23+$0x50] =	vst v0;
	v25 =	vadd.s32 v17, v25;
	v46 =	vand.u32 $0x7F, v44;
	v43 =	vand.u32 $0xC00, v41  }
0xd5: {  	[tilespmem:s23+$0x60] =	vst v0;
	v60 =	vld [tilespmem:s20+$0x40];
	v26 =	vor.u32 v40, v26;
	v23 =	vand.u32 $0x7F, v23;
	v28 =	vadd.s32 v17, v43  }
0xd6: {  	s22 =	sadd.s32 s21, s22;
	[tilespmem:s23+$0x70] =	vst v0;
	v30 =	vand.u32 $0xC00, v30;
	v26 =	vor.u32 v18, v26;
	v23 =	vor.u32 v23, v28  }
0xd7: {  	[tilespmem:s22+$0x0] =	vst v0;
	v25 =	vor.u32 v27, v25;
	v47 =	vadd.s32 v17, v30;
	v23 =	vor.u32 v18, v23  }
0xd8: {  	[tilespmem:s22+$0x10] =	vst v0;
	vm3 =	vgt.s32 v19, v6;
	v25 =	vor.u32 v18, v25;
	v48 =	vor.u32 v46, v47  }
0xd9: {  	[tilespmem:s22+$0x1D] =	vst v0;
	v62 =	vld [tilespmem:s20+$0x50];
	v24 =	vadd.f32 v37, v22;
	v22 =	vmul.u32 $0xC00, v53;
	v27 =	vor.u32 v18, v48  }
0xda: {  	v55 =	vand.u32 $0x400, v32;
	v31 =	vand.u32 $0x7F, v52;
	v63 =	vnsel vm3, $0x0, v60;
	v53 =	vld [tilespmem:s14+$0x80]  }
0xdb: {  	v56 =	vadd.s32 v22, v55;
	v29 =	vadd.s32 v22, v29;
	v30 =	vadd.s32 $0xC8, v51;
	[tilespmem:v26+s11+$0x0] =	vst.idx.add.f32.msk $0xffff, v1  }
0xdc: {  	v29 =	vor.u32 v31, v29;
	v58 =	vshll.u32 v30, $0x3;
	v26 =	vadd.s32 $0xC8, v54;
	[tilespmem:v23+s11+$0x0] =	vst.idx.add.f32.msk $0xffff, v1  }
0xdd: {  	v30 =	vand.u32 $0x7F, v30;
	v59 =	vand.u32 $0xC00, v58;
	v61 =	vshll.u32 v26, $0x3;
	[tilespmem:v25+s11+$0x0] =	vst.idx.add.f32.msk $0xffff, v1  }
0xde: {  	v23 =	vand.u32 $0x300, v57;
	v25 =	vor.u32 v33, v56;
	[tilespmem:v27+s11+$0x0] =	vst.idx.add.f32.msk $0xffff, v1;
	v27 =	vadd.s32 v22, v59  }
0xdf: {  	v25 =	vor.u32 v23, v25;
	v27 =	vor.u32 v30, v27;
	v30 =	vand.u32 $0xC00, v61;
	v34 =	vld [tilespmem:s14+$0xFFFFFFD0]  }
0xe0: {  	v26 =	vand.u32 $0x7F, v26;
	v27 =	vor.u32 v23, v27;
	v30 =	vadd.s32 v22, v30  }
0xe1: {  	s31 =	sadd.s32 $0x3, s16;
	vm3 =	vgt.s32 v19, v7;
	v29 =	vor.u32 v23, v29;
	v26 =	vor.u32 v26, v30  }
0xe2: {  	v60 =	vmov s31;
	v30 =	vadd.f32 v63, v24;
	v26 =	vor.u32 v23, v26  }
0xe3: {  	v33 =	vnsel vm3, $0x0, v62;
	v62 =	vshll.u32 v53, $0x3;
	v61 =	vshrl.u32 v53, $0x8;
	v24 =	vld.idx.msk [tilespmem:v49+s9+$0x0], $0xffff  }
0xe4: {  	v63 =	vshll.u32 v60, $0x7;
	[tilespmem:v25+s11+$0x0] =	vst.idx.add.f32.msk $0xffff, v1;
	v28 =	vadd.f32 v33, v30;
	v35 =	vshrl.u32 v34, $0x8  }
0xe5: {  	v36 =	vshrl.u32 v34, $0x10;
	v37 =	vshll.u32 v34, $0x3;
	v38 =	vshrl.u32 v34, $0x18;
	[tilespmem:v27+s11+$0x0] =	vst.idx.add.f32.msk $0xffff, v1  }
0xe6: {  	v40 =	vand.u32 $0x7F, v34;
	v44 =	vshrl.u32 v34, $0xD;
	v25 =	vand.u32 $0xFF, v35;
	[tilespmem:v29+s11+$0x0] =	vst.idx.add.f32.msk $0xffff, v1  }
0xe7: {  	v39 =	vand.u32 $0x400, v37;
	v30 =	vand.u32 $0x400, v44;
	v25 =	vadd.s32 $0xC8, v25;
	[tilespmem:v26+s11+$0x0] =	vst.idx.add.f32.msk $0xffff, v1  }
0xe8: {  	v27 =	vand.u32 $0x7F, v36;
	v47 =	vadd.s32 $0xC8, v38;
	v41 =	vshll.u32 v25, $0x3;
	v42 =	vld [tilespmem:s14+$0x10]  }
0xe9: {  	v38 =	vshrl.u32 v60, $0x3;
	v29 =	vadd.s32 v17, v39;
	v43 =	vand.u32 $0xC00, v41  }
0xea: {  	v26 =	vor.u32 v40, v29;
	v25 =	vand.u32 $0x7F, v25;
	v29 =	vadd.s32 v17, v43  }
0xeb: {  	v45 =	vadd.s32 v17, v30;
	v32 =	vshll.u32 v47, $0x3;
	v25 =	vor.u32 v25, v29  }
0xec: {  	v39 =	vand.u32 $0xFF, v61;
	v31 =	vor.u32 v18, v26;
	v30 =	vor.u32 v18, v25  }
0xed: {  	v48 =	vshrl.u32 v42, $0x8;
	v49 =	vshll.u32 v42, $0x3;
	v50 =	vshrl.u32 v42, $0x10  }
0xee: {  	v35 =	vand.u32 $0x7F, v42;
	v37 =	vshrl.u32 v42, $0x18;
	v25 =	vand.u32 $0xFF, v48  }
0xef: {  	v33 =	vshrl.u32 v42, $0xD;
	v26 =	vand.u32 $0x400, v49;
	v25 =	vadd.s32 $0xC8, v25  }
0xf0: {  	v52 =	vadd.s32 $0xC8, v37;
	v55 =	vand.u32 $0x400, v33;
	v36 =	vshll.u32 v25, $0x3  }
0xf1: {  	v26 =	vadd.s32 v22, v26;
	v56 =	vshll.u32 v52, $0x3;
	v51 =	vand.u32 $0xC00, v36  }
0xf2: {  	v26 =	vor.u32 v35, v26;
	v25 =	vand.u32 $0x7F, v25;
	v35 =	vadd.s32 v22, v51  }
0xf3: {  	v34 =	vand.u32 $0x7F, v50;
	v33 =	vand.u32 $0xC00, v56;
	v25 =	vor.u32 v25, v35  }
0xf4: {  	v26 =	vor.u32 v23, v26;
	v54 =	vor.u32 v23, v25;
	v25 =	vadd.s32 v22, v55  }
0xf5: {  	v57 =	vand.u32 $0x7F, v52;
	v33 =	vadd.s32 v22, v33;
	v25 =	vor.u32 v34, v25  }
0xf6: {  	v46 =	vor.u32 v27, v45;
	v59 =	vor.u32 v57, v33;
	v58 =	vor.u32 v23, v25  }
0xf7: {  	v40 =	vshrl.u32 v53, $0x10;
	v39 =	vadd.s32 $0xC8, v39;
	v34 =	vor.u32 v23, v59  }
0xf8: {  	v32 =	vand.u32 $0xC00, v32;
	v27 =	vand.u32 $0x7F, v47;
	v41 =	vand.u32 $0x7F, v53  }
0xf9: {  	v40 =	vand.u32 $0x7F, v40;
	v43 =	vshrl.u32 v53, $0x18;
	v25 =	vmul.u32 $0xC00, v38;
	[tilespmem:v26+s11+$0x0] =	vst.idx.add.f32.msk $0xffff, v1  }
0xfa: {  	v29 =	vor.u32 v18, v46;
	v36 =	vshrl.u32 v53, $0xD;
	v38 =	vand.u32 $0x400, v62;
	[tilespmem:v54+s11+$0x0] =	vst.idx.add.f32.msk $0xffff, v1  }
0xfb: {  	v42 =	vshll.u32 v39, $0x3;
	v36 =	vand.u32 $0x400, v36;
	v38 =	vadd.s32 v25, v38;
	[tilespmem:v58+s11+$0x0] =	vst.idx.add.f32.msk $0xffff, v1  }
0xfc: {  	v35 =	vadd.s32 $0xC8, v43;
	v41 =	vor.u32 v41, v38;
	v38 =	vand.u32 $0xC00, v42;
	[tilespmem:v34+s11+$0x0] =	vst.idx.add.f32.msk $0xffff, v1  }
0xfd: {  	v46 =	vshll.u32 v35, $0x3;
	v26 =	vand.u32 $0x380, v63;
	v44 =	vadd.s32 v25, v38;
	v45 =	vld [tilespmem:s14+$0x20]  }
0xfe: {  	v36 =	vadd.s32 v25, v36;
	v37 =	vor.u32 v26, v41;
	v34 =	vor.u32 v39, v44  }
0xff: {  	v36 =	vor.u32 v40, v36;
	v39 =	vand.u32 $0xC00, v46;
	v34 =	vor.u32 v26, v34  }
0x100: {  	v32 =	vadd.s32 v17, v32;
	v36 =	vor.u32 v26, v36;
	v39 =	vadd.s32 v25, v39  }
0x101: {  	vm3 =	vgt.s32 v19, v8;
	v32 =	vor.u32 v27, v32;
	v35 =	vor.u32 v35, v39  }
0x102: {  	v27 =	vld.idx.msk [tilespmem:v60+s9+$0x0], $0xffff;
	v32 =	vor.u32 v18, v32;
	v35 =	vor.u32 v26, v35;
	v47 =	vshrl.u32 v45, $0x8  }
0x103: {  	[tilespmem:v37+s11+$0x0] =	vst.idx.add.f32.msk $0xffff, v1;
	v48 =	vshll.u32 v45, $0x3;
	v51 =	vand.u32 $0x7F, v45;
	v52 =	vshrl.u32 v45, $0x10  }
0x104: {  	[tilespmem:v34+s11+$0x0] =	vst.idx.add.f32.msk $0xffff, v1;
	v54 =	vshrl.u32 v45, $0x18;
	v38 =	vshrl.u32 v45, $0xD;
	v49 =	vand.u32 $0xFF, v47  }
0x105: {  	v50 =	vand.u32 $0x400, v48;
	[tilespmem:v36+s11+$0x0] =	vst.idx.add.f32.msk $0xffff, v1;
	v57 =	vand.u32 $0x400, v38;
	v36 =	vadd.s32 $0xC8, v54  }
0x106: {  	v60 =	vld [tilespmem:s20+$0x60];
	v34 =	vand.u32 $0x7F, v52;
	v39 =	vadd.s32 v22, v50;
	v33 =	vadd.s32 $0xC8, v49  }
0x107: {  	[tilespmem:v35+s11+$0x0] =	vst.idx.add.f32.msk $0xffff, v1;
	v35 =	vadd.s32 v22, v57;
	v58 =	vshll.u32 v36, $0x3;
	v36 =	vand.u32 $0x7F, v36  }
0x108: {  	v37 =	vor.u32 v51, v39;
	v53 =	vshll.u32 v33, $0x3;
	v33 =	vand.u32 $0x7F, v33;
	v56 =	vld [tilespmem:s14+$0x90]  }
0x109: {  	v34 =	vor.u32 v34, v35;
	v59 =	vand.u32 $0xC00, v58;
	v39 =	vand.u32 $0xC00, v53  }
0x10a: {  	v63 =	vld [tilespmem:s20+$0x70];
	v37 =	vor.u32 v23, v37;
	v35 =	vadd.s32 v22, v59;
	v55 =	vadd.s32 v22, v39  }
0x10b: {  	v34 =	vor.u32 v23, v34;
	v35 =	vor.u32 v36, v35;
	v33 =	vor.u32 v33, v55  }
0x10c: {  	v35 =	vor.u32 v23, v35;
	v55 =	vnsel vm3, $0x0, v60;
	vm3 =	vgt.s32 v19, v9  }
0x10d: {  	v33 =	vor.u32 v23, v33;
	v28 =	vadd.f32 v55, v28;
	v61 =	vshrl.u32 v56, $0x8  }
0x10e: {  	[tilespmem:v31+s11+$0x0] =	vst.idx.add.f32.msk $0xffff, v1;
	v62 =	vshll.u32 v56, $0x3;
	v44 =	vand.u32 $0x7F, v56;
	v45 =	vshrl.u32 v56, $0x10  }
0x10f: {  	[tilespmem:v30+s11+$0x0] =	vst.idx.add.f32.msk $0xffff, v1;
	v47 =	vshrl.u32 v56, $0x18;
	v39 =	vshrl.u32 v56, $0xD;
	v56 =	vnsel vm3, $0x0, v63  }
0x110: {  	[tilespmem:v29+s11+$0x0] =	vst.idx.add.f32.msk $0xffff, v1;
	vm3 =	vgt.s32 v19, v10;
	v36 =	vand.u32 $0xFF, v61;
	v40 =	vand.u32 $0x400, v62  }
0x111: {  	[tilespmem:v32+s11+$0x0] =	vst.idx.add.f32.msk $0xffff, v1;
	v29 =	vadd.s32 $0xC8, v47;
	v50 =	vand.u32 $0x400, v39;
	v36 =	vadd.s32 $0xC8, v36  }
0x112: {  	v49 =	vld [tilespmem:s20+$0x400];
	v40 =	vadd.s32 v25, v40;
	v51 =	vshll.u32 v29, $0x3;
	v46 =	vshll.u32 v36, $0x3  }
0x113: {  	[tilespmem:v37+s11+$0x0] =	vst.idx.add.f32.msk $0xffff, v1;
	v31 =	vor.u32 v44, v40;
	v52 =	vand.u32 $0xC00, v51;
	v40 =	vand.u32 $0xC00, v46  }
0x114: {  	v53 =	vld [tilespmem:s14+$0xFFFFFFD4];
	v31 =	vor.u32 v26, v31;
	v54 =	vadd.s32 v25, v52;
	v48 =	vadd.s32 v25, v40  }
0x115: {  	v30 =	vand.u32 $0x7F, v45;
	[tilespmem:v33+s11+$0x0] =	vst.idx.add.f32.msk $0xffff, v1;
	v32 =	vor.u32 v36, v48;
	v36 =	vadd.s32 v25, v50  }
0x116: {  	[tilespmem:v34+s11+$0x0] =	vst.idx.add.f32.msk $0xffff, v1;
	v32 =	vor.u32 v26, v32;
	v30 =	vor.u32 v30, v36  }
0x117: {  	v29 =	vor.u32 v29, v54;
	[tilespmem:v35+s11+$0x0] =	vst.idx.add.f32.msk $0xffff, v1;
	v30 =	vor.u32 v26, v30  }
0x118: {  	v28 =	vadd.f32 v56, v28;
	v57 =	vnsel vm3, $0x0, v49;
	v29 =	vor.u32 v26, v29;
	v35 =	vld [tilespmem:s14+$0x30]  }
0x119: {  	v58 =	vshrl.u32 v53, $0x8;
	v60 =	vshrl.u32 v53, $0x10;
	v61 =	vshll.u32 v53, $0x3  }
0x11a: {  	v63 =	vshrl.u32 v53, $0x18;
	v41 =	vand.u32 $0x7F, v53;
	[tilespmem:v31+s11+$0x0] =	vst.idx.add.f32.msk $0xffff, v1;
	v31 =	vand.u32 $0x400, v61  }
0x11b: {  	v42 =	vshrl.u32 v53, $0xD;
	v59 =	vand.u32 $0xFF, v58;
	v31 =	vadd.s32 v17, v31;
	[tilespmem:v32+s11+$0x0] =	vst.idx.add.f32.msk $0xffff, v1  }
0x11c: {  	v28 =	vadd.f32 v57, v28;
	v33 =	vadd.s32 $0xC8, v63;
	v31 =	vor.u32 v41, v31;
	[tilespmem:v30+s11+$0x0] =	vst.idx.add.f32.msk $0xffff, v1  }
0x11d: {  	v31 =	vor.u32 v18, v31;
	v44 =	vshrl.u32 v35, $0x8;
	v52 =	vshll.u32 v35, $0x3;
	[tilespmem:v29+s11+$0x0] =	vst.idx.add.f32.msk $0xffff, v1  }
0x11e: {  	v53 =	vand.u32 $0x7F, v35;
	v56 =	vshrl.u32 v35, $0x10;
	v57 =	vshrl.u32 v35, $0x18;
	v62 =	vld [tilespmem:s14+$0xA0]  }
0x11f: {  	v35 =	vshrl.u32 v35, $0xD;
	v30 =	vadd.s32 $0xC8, v59;
	v37 =	vand.u32 $0xFF, v44  }
0x120: {  	v35 =	vand.u32 $0x400, v35;
	v40 =	vshll.u32 v30, $0x3;
	v30 =	vand.u32 $0x7F, v30  }
0x121: {  	v37 =	vadd.s32 $0xC8, v37;
	v29 =	vand.u32 $0x7F, v60;
	v34 =	vand.u32 $0xC00, v40  }
0x122: {  	v35 =	vadd.s32 v22, v35;
	v60 =	vshll.u32 v33, $0x3;
	v34 =	vadd.s32 v17, v34  }
0x123: {  	v33 =	vand.u32 $0x7F, v33;
	v30 =	vor.u32 v30, v34;
	v43 =	vshrl.u32 v62, $0x8  }
0x124: {  	v45 =	vshll.u32 v62, $0x3;
	v46 =	vshrl.u32 v62, $0x10;
	v47 =	vand.u32 $0x7F, v62  }
0x125: {  	v49 =	vshrl.u32 v62, $0x18;
	v32 =	vshrl.u32 v62, $0xD;
	v36 =	vand.u32 $0xFF, v43  }
0x126: {  	v38 =	vand.u32 $0x400, v45;
	v40 =	vadd.s32 $0xC8, v49;
	v36 =	vadd.s32 $0xC8, v36  }
0x127: {  	v32 =	vand.u32 $0x400, v32;
	v39 =	vand.u32 $0x7F, v46;
	v48 =	vshll.u32 v36, $0x3  }
0x128: {  	v38 =	vadd.s32 v25, v38;
	v50 =	vshll.u32 v40, $0x3;
	v41 =	vand.u32 $0xC00, v48  }
0x129: {  	v32 =	vadd.s32 v25, v32;
	v38 =	vor.u32 v47, v38;
	v41 =	vadd.s32 v25, v41  }
0x12a: {  	v38 =	vor.u32 v26, v38;
	v36 =	vor.u32 v36, v41;
	v41 =	vand.u32 $0xC00, v50  }
0x12b: {  	v32 =	vor.u32 v39, v32;
	v51 =	vadd.s32 v25, v41;
	v36 =	vor.u32 v26, v36  }
0x12c: {  	v34 =	vand.u32 $0x400, v42;
	v32 =	vor.u32 v26, v32;
	v39 =	vor.u32 v40, v51  }
0x12d: {  	v54 =	vshll.u32 v37, $0x3;
	v34 =	vadd.s32 v17, v34;
	v39 =	vor.u32 v26, v39  }
0x12e: {  	v61 =	vand.u32 $0xC00, v60;
	[tilespmem:v31+s11+$0x0] =	vst.idx.add.f32.msk vm0, v1;
	v30 =	vor.u32 v18, v30;
	v29 =	vor.u32 v29, v34  }
0x12f: {  	v34 =	vadd.s32 v17, v61;
	v29 =	vor.u32 v18, v29;
	v41 =	vand.u32 $0x400, v52;
	[tilespmem:v38+s11+$0x0] =	vst.idx.add.f32.msk $0xffff, v1  }
0x130: {  	v37 =	vand.u32 $0x7F, v37;
	v33 =	vor.u32 v33, v34;
	v41 =	vadd.s32 v22, v41;
	[tilespmem:v36+s11+$0x0] =	vst.idx.add.f32.msk $0xffff, v1  }
0x131: {  	v33 =	vor.u32 v18, v33;
	v40 =	vor.u32 v53, v41;
	v41 =	vand.u32 $0xC00, v54;
	[tilespmem:v32+s11+$0x0] =	vst.idx.add.f32.msk $0xffff, v1  }
0x132: {  	v38 =	vand.u32 $0x7F, v56;
	v55 =	vadd.s32 v22, v41;
	v36 =	vadd.s32 $0xC8, v57;
	[tilespmem:v39+s11+$0x0] =	vst.idx.add.f32.msk $0xffff, v1  }
0x133: {  	v40 =	vor.u32 v23, v40;
	v37 =	vor.u32 v37, v55;
	v59 =	vshll.u32 v36, $0x3;
	v39 =	vld [tilespmem:s14+$0xB0]  }
0x134: {  	[tilespmem:v30+s11+$0x0] =	vst.idx.add.f32.msk vm0, v1;
	v35 =	vor.u32 v38, v35;
	v58 =	vor.u32 v23, v37;
	v37 =	vand.u32 $0xC00, v59  }
0x135: {  	[tilespmem:v29+s11+$0x0] =	vst.idx.add.f32.msk vm0, v1;
	v35 =	vor.u32 v23, v35;
	v36 =	vand.u32 $0x7F, v36;
	v37 =	vadd.s32 v22, v37  }
0x136: {  	vm15 =	vgt.s32 v19, v13;
	v50 =	vld [tilespmem:s20+$0x410];
	v36 =	vor.u32 v36, v37  }
0x137: {  	vm13 =	vgt.s32 v20, v4;
	[tilespmem:v33+s11+$0x0] =	vst.idx.add.f32.msk vm0, v1;
	v36 =	vor.u32 v23, v36  }
0x138: {  	vm14 =	vgt.s32 v20, v5;
	vm3 =	vgt.s32 v19, v11;
	[tilespmem:v40+s11+$0x0] =	vst.idx.add.f32.msk $0xffff, v1;
	v62 =	vshrl.u32 v39, $0x8  }
0x139: {  	[tilespmem:v58+s11+$0x0] =	vst.idx.add.f32.msk $0xffff, v1;
	v63 =	vshll.u32 v39, $0x3;
	v41 =	vand.u32 $0x7F, v39;
	v42 =	vshrl.u32 v39, $0x10  }
0x13a: {  	s17 =	sor.u32 s17, s18;
	[tilespmem:v35+s11+$0x0] =	vst.idx.add.f32.msk $0xffff, v1;
	v45 =	vshrl.u32 v39, $0x18;
	v39 =	vshrl.u32 v39, $0xD;
	v38 =	vand.u32 $0xFF, v62  }
0x13b: {  	v40 =	vand.u32 $0x400, v63;
	v46 =	vand.u32 $0x400, v39;
	v48 =	vand.u32 $0x7F, v42;
	v42 =	vld [tilespmem:s17+$0x0]  }
0x13c: {  	v34 =	vadd.s32 v25, v40;
	v32 =	vadd.s32 $0xC8, v38;
	[tilespmem:v36+s11+$0x0] =	vst.idx.add.f32.msk $0xffff, v1;
	v38 =	vadd.s32 $0xC8, v45  }
0x13d: {  	v34 =	vor.u32 v41, v34;
	v43 =	vshll.u32 v32, $0x3;
	v44 =	vld [tilespmem:s14+$0x40];
	v47 =	vshll.u32 v38, $0x3  }
0x13e: {  	v34 =	vor.u32 v26, v34;
	v35 =	vand.u32 $0xC00, v43;
	v49 =	vand.u32 $0xC00, v47  }
0x13f: {  	v43 =	vnsel vm3, $0x0, v50;
	vm3 =	vgt.s32 v20, $0x1;
	v35 =	vadd.s32 v25, v35  }
0x140: {  	v51 =	vadd.s32 v25, v49;
	v32 =	vor.u32 v32, v35;
	v35 =	vadd.s32 v25, v46  }
0x141: {  	v36 =	vadd.f32 $0.0e+00, v42;
	v32 =	vor.u32 v26, v32;
	v31 =	vor.u32 v48, v35  }
0x142: {  	v35 =	vor.u32 v38, v51;
	v52 =	vshrl.u32 v44, $0x8;
	v31 =	vor.u32 v26, v31  }
0x143: {  	v54 =	vshll.u32 v44, $0x3;
	v35 =	vor.u32 v26, v35;
	v55 =	vshrl.u32 v44, $0x10  }
0x144: {  	v56 =	vand.u32 $0x7F, v44;
	v58 =	vshrl.u32 v44, $0x18;
	v53 =	vand.u32 $0xFF, v52  }
0x145: {  	v61 =	vshrl.u32 v44, $0xD;
	v30 =	vand.u32 $0x400, v54;
	[tilespmem:v34+s11+$0x0] =	vst.idx.add.f32.msk $0xffff, v1;
	v29 =	vadd.s32 $0xC8, v53  }
0x146: {  	v62 =	vadd.s32 $0xC8, v58;
	v40 =	vand.u32 $0x400, v61;
	v57 =	vshll.u32 v29, $0x3;
	[tilespmem:v32+s11+$0x0] =	vst.idx.add.f32.msk $0xffff, v1  }
0x147: {  	v33 =	vand.u32 $0x7F, v55;
	v30 =	vadd.s32 v22, v30;
	v59 =	vand.u32 $0xC00, v57;
	[tilespmem:v31+s11+$0x0] =	vst.idx.add.f32.msk $0xffff, v1  }
0x148: {  	v30 =	vor.u32 v56, v30;
	v29 =	vand.u32 $0x7F, v29;
	v60 =	vadd.s32 v22, v59;
	[tilespmem:v35+s11+$0x0] =	vst.idx.add.f32.msk $0xffff, v1  }
0x149: {  	v41 =	vshll.u32 v62, $0x3;
	v30 =	vor.u32 v23, v30;
	v29 =	vor.u32 v29, v60;
	v35 =	vld [tilespmem:s14+$0xC0]  }
0x14a: {  	v31 =	vand.u32 $0xC00, v41;
	v63 =	vor.u32 v23, v29;
	v29 =	vadd.s32 v22, v40  }
0x14b: {  	v32 =	vand.u32 $0x7F, v62;
	v31 =	vadd.s32 v22, v31;
	v29 =	vor.u32 v33, v29  }
0x14c: {  	v44 =	vor.u32 v23, v29;
	v29 =	vadd.f32 v43, v28;
	v28 =	vnsel vm3, $0x1, v20  }
0x14d: {  	vm8 =	vgt.s32 v20, v8;
	v31 =	vor.u32 v32, v31;
	vm3 =	vgt.u32 v28, v2  }
0x14e: {  	v31 =	vor.u32 v23, v31;
	v56 =	vnsel vm3, $0x0, v36;
	v45 =	vshrl.u32 v35, $0x8  }
0x14f: {  	v58 =	vld [tilespmem:s17+$0x10];
	v46 =	vshll.u32 v35, $0x3;
	v49 =	vand.u32 $0x7F, v35;
	v50 =	vshrl.u32 v35, $0x10  }
0x150: {  	[tilespmem:v30+s11+$0x0] =	vst.idx.add.f32.msk $0xffff, v1;
	v52 =	vshrl.u32 v35, $0x18;
	v35 =	vshrl.u32 v35, $0xD;
	v47 =	vand.u32 $0xFF, v45  }
0x151: {  	[tilespmem:v63+s11+$0x0] =	vst.idx.add.f32.msk $0xffff, v1;
	v48 =	vand.u32 $0x400, v46;
	v53 =	vand.u32 $0x400, v35;
	v30 =	vadd.s32 $0xC8, v47  }
0x152: {  	v34 =	vand.u32 $0x7F, v50;
	v32 =	vadd.s32 v25, v48;
	[tilespmem:v44+s11+$0x0] =	vst.idx.add.f32.msk $0xffff, v1;
	v51 =	vshll.u32 v30, $0x3  }
0x153: {  	v32 =	vor.u32 v49, v32;
	[tilespmem:v31+s11+$0x0] =	vst.idx.add.f32.msk $0xffff, v1;
	v31 =	vadd.s32 $0xC8, v52;
	v33 =	vand.u32 $0xC00, v51  }
0x154: {  	v32 =	vor.u32 v26, v32;
	v37 =	vld [tilespmem:s14+$0x50];
	v54 =	vshll.u32 v31, $0x3;
	v33 =	vadd.s32 v25, v33  }
0x155: {  	v35 =	vand.u32 $0xC00, v54;
	v30 =	vor.u32 v30, v33;
	v33 =	vadd.s32 v25, v53  }
0x156: {  	v55 =	vadd.s32 v25, v35;
	v30 =	vor.u32 v26, v30;
	v33 =	vor.u32 v34, v33  }
0x157: {  	vm3 =	vgt.s32 v20, v3;
	v31 =	vor.u32 v31, v55;
	v33 =	vor.u32 v26, v33  }
0x158: {  	vm9 =	vgt.s32 v20, v9;
	v36 =	vnsel vm3, $0x0, v58;
	v31 =	vor.u32 v26, v31  }
0x159: {  	vm10 =	vgt.s32 v20, v10;
	v34 =	vadd.f32 v36, v56;
	v57 =	vshrl.u32 v37, $0x8  }
0x15a: {  	v59 =	vshll.u32 v37, $0x3;
	v60 =	vshrl.u32 v37, $0x10;
	[tilespmem:v32+s11+$0x0] =	vst.idx.add.f32.msk $0xffff, v1;
	v61 =	vand.u32 $0x7F, v37  }
0x15b: {  	v63 =	vshrl.u32 v37, $0x18;
	v35 =	vand.u32 $0xFF, v57;
	v38 =	vand.u32 $0x400, v59;
	[tilespmem:v30+s11+$0x0] =	vst.idx.add.f32.msk $0xffff, v1  }
0x15c: {  	v45 =	vshrl.u32 v37, $0xD;
	v35 =	vadd.s32 $0xC8, v35;
	v38 =	vadd.s32 v22, v38;
	[tilespmem:v33+s11+$0x0] =	vst.idx.add.f32.msk $0xffff, v1  }
0x15d: {  	v48 =	vand.u32 $0x7F, v60;
	v62 =	vshll.u32 v35, $0x3;
	v32 =	vor.u32 v61, v38;
	[tilespmem:v31+s11+$0x0] =	vst.idx.add.f32.msk $0xffff, v1  }
0x15e: {  	v42 =	vand.u32 $0x7F, v35;
	v30 =	vadd.s32 $0xC8, v63;
	v41 =	vand.u32 $0xC00, v62;
	v46 =	vld [tilespmem:s14+$0xD0]  }
0x15f: {  	v32 =	vor.u32 v23, v32;
	v33 =	vand.u32 $0x400, v45;
	v47 =	vshll.u32 v30, $0x3  }
0x160: {  	v30 =	vand.u32 $0x7F, v30;
	v43 =	vadd.s32 v22, v41;
	v37 =	vand.u32 $0xC00, v47  }
0x161: {  	v33 =	vadd.s32 v22, v33;
	v44 =	vor.u32 v42, v43;
	v37 =	vadd.s32 v22, v37  }
0x162: {  	v33 =	vor.u32 v48, v33;
	v31 =	vor.u32 v23, v44;
	v30 =	vor.u32 v30, v37  }
0x163: {  	v33 =	vor.u32 v23, v33;
	v30 =	vor.u32 v23, v30;
	v49 =	vshrl.u32 v46, $0x8  }
0x164: {  	v51 =	vld [tilespmem:s17+$0x20];
	v50 =	vshll.u32 v46, $0x3;
	v52 =	vand.u32 $0x7F, v46;
	v53 =	vshrl.u32 v46, $0x10  }
0x165: {  	v60 =	vld [tilespmem:s20+$0x420];
	v55 =	vshrl.u32 v46, $0x18;
	v35 =	vshrl.u32 v46, $0xD;
	v37 =	vand.u32 $0xFF, v49  }
0x166: {  	[tilespmem:v32+s11+$0x0] =	vst.idx.add.f32.msk $0xffff, v1;
	v38 =	vand.u32 $0x400, v50;
	v35 =	vand.u32 $0x400, v35;
	v37 =	vadd.s32 $0xC8, v37  }
0x167: {  	[tilespmem:v31+s11+$0x0] =	vst.idx.add.f32.msk $0xffff, v1;
	v31 =	vand.u32 $0x7F, v53;
	v38 =	vadd.s32 v25, v38;
	v54 =	vshll.u32 v37, $0x3  }
0x168: {  	[tilespmem:v33+s11+$0x0] =	vst.idx.add.f32.msk $0xffff, v1;
	v33 =	vadd.s32 $0xC8, v55;
	v32 =	vor.u32 v52, v38;
	v38 =	vand.u32 $0xC00, v54  }
0x169: {  	v61 =	vld [tilespmem:s17+$0x30];
	v35 =	vadd.s32 v25, v35;
	v58 =	vshll.u32 v33, $0x3;
	v56 =	vadd.s32 v25, v38  }
0x16a: {  	[tilespmem:v30+s11+$0x0] =	vst.idx.add.f32.msk $0xffff, v1;
	v32 =	vor.u32 v26, v32;
	v30 =	vor.u32 v37, v56;
	v37 =	vand.u32 $0xC00, v58  }
0x16b: {  	v31 =	vor.u32 v31, v35;
	v57 =	vld [tilespmem:s14+$0x54];
	v30 =	vor.u32 v26, v30;
	v59 =	vadd.s32 v25, v37  }
0x16c: {  	vm11 =	vgt.s32 v24, $0x1;
	v31 =	vor.u32 v26, v31;
	v33 =	vor.u32 v33, v59  }
0x16d: {  	vm12 =	vgt.s32 v24, v3;
	v36 =	vnsel vm13, $0x0, v51;
	v33 =	vor.u32 v26, v33  }
0x16e: {  	vm3 =	vgt.s32 v19, v12;
	vm13 =	vgt.s32 v20, v13;
	v34 =	vadd.f32 v36, v34  }
0x16f: {  	v52 =	vnsel vm14, $0x0, v61;
	v35 =	vnsel vm3, $0x0, v60;
	vm3 =	vgt.s32 v20, v6;
	[tilespmem:v32+s11+$0x0] =	vst.idx.add.f32.msk $0xffff, v1  }
0x170: {  	v62 =	vshrl.u32 v57, $0x8;
	v63 =	vshll.u32 v57, $0x3;
	v42 =	vand.u32 $0x7F, v57;
	[tilespmem:v30+s11+$0x0] =	vst.idx.add.f32.msk $0xffff, v1  }
0x171: {  	v43 =	vshrl.u32 v57, $0x10;
	v37 =	vand.u32 $0xFF, v62;
	v39 =	vand.u32 $0x400, v63;
	[tilespmem:v31+s11+$0x0] =	vst.idx.add.f32.msk $0xffff, v1  }
0x172: {  	v47 =	vshrl.u32 v57, $0xD;
	v39 =	vadd.s32 v22, v39;
	v37 =	vadd.s32 $0xC8, v37;
	[tilespmem:v33+s11+$0x0] =	vst.idx.add.f32.msk $0xffff, v1  }
0x173: {  	v51 =	vshrl.u32 v57, $0x18;
	v32 =	vor.u32 v42, v39;
	v44 =	vshll.u32 v37, $0x3;
	v39 =	vld [tilespmem:s14+$0xD4]  }
0x174: {  	v49 =	vand.u32 $0x400, v47;
	v53 =	vadd.s32 $0xC8, v51;
	v46 =	vand.u32 $0xC00, v44  }
0x175: {  	v48 =	vand.u32 $0x7F, v37;
	v45 =	vor.u32 v23, v32;
	v32 =	vadd.s32 v22, v46  }
0x176: {  	v55 =	vld [tilespmem:s17+$0x50];
	v50 =	vadd.s32 v22, v49;
	v30 =	vand.u32 $0x7F, v43;
	v32 =	vor.u32 v48, v32  }
0x177: {  	v54 =	vld [tilespmem:s17+$0x40];
	v37 =	vshll.u32 v53, $0x3;
	v30 =	vor.u32 v30, v50;
	v32 =	vor.u32 v23, v32  }
0x178: {  	v63 =	vld [tilespmem:s20+$0x430];
	v37 =	vand.u32 $0xC00, v37;
	v30 =	vor.u32 v23, v30;
	v56 =	vshrl.u32 v39, $0x8  }
0x179: {  	v47 =	vld [tilespmem:s17+$0x70];
	v36 =	vand.u32 $0x7F, v53;
	v57 =	vadd.s32 v22, v37;
	v58 =	vand.u32 $0xFF, v56  }
0x17a: {  	v49 =	vld [tilespmem:s17+$0x400];
	v31 =	vor.u32 v36, v57;
	v59 =	vshll.u32 v39, $0x3;
	v61 =	vadd.s32 $0xC8, v58  }
0x17b: {  	v31 =	vor.u32 v23, v31;
	[tilespmem:v45+s11+$0x0] =	vst.idx.add.f32.msk vm0, v1;
	v60 =	vand.u32 $0x400, v59;
	v37 =	vshll.u32 v61, $0x3  }
0x17c: {  	v62 =	vand.u32 $0x7F, v39;
	[tilespmem:v32+s11+$0x0] =	vst.idx.add.f32.msk vm0, v1;
	v32 =	vadd.s32 v25, v60;
	v44 =	vand.u32 $0xC00, v37  }
0x17d: {  	vm14 =	vgt.s32 v27, $0x1;
	[tilespmem:v30+s11+$0x0] =	vst.idx.add.f32.msk vm0, v1;
	v30 =	vor.u32 v62, v32;
	v32 =	vadd.s32 v25, v44  }
0x17e: {  	v29 =	vadd.f32 v35, v29;
	v46 =	vld [tilespmem:s17+$0x60];
	v30 =	vor.u32 v26, v30;
	v32 =	vor.u32 v61, v32  }
0x17f: {  	v33 =	vadd.f32 v52, v34;
	v34 =	vnsel vm3, $0x0, v54;
	v54 =	vld [tilespmem:s17+$0x410];
	v32 =	vor.u32 v26, v32  }
0x180: {  	v38 =	vnsel vm14, $0x1, v27;
	vm14 =	vgt.s32 v27, v11;
	vm3 =	vgt.s32 v20, v7;
	v45 =	vld [tilespmem:s20+$0x438]  }
0x181: {  	v51 =	vshrl.u32 v39, $0xD;
	v52 =	vshrl.u32 v39, $0x10;
	v39 =	vshrl.u32 v39, $0x18;
	v56 =	vld [tilespmem:s17+$0x420]  }
0x182: {  	v48 =	vnsel vm3, $0x0, v55;
	vm3 =	vgt.s32 v19, v14;
	v39 =	vadd.s32 $0xC8, v39;
	[tilespmem:v31+s11+$0x0] =	vst.idx.add.f32.msk vm0, v1  }
0x183: {  	v33 =	vadd.f32 v34, v33;
	v53 =	vand.u32 $0x400, v51;
	v55 =	vshll.u32 v39, $0x3;
	[tilespmem:v30+s11+$0x0] =	vst.idx.add.f32.msk vm0, v1  }
0x184: {  	s19 =	sor.u32 s19, s18;
	v36 =	vand.u32 $0x7F, v52;
	v30 =	vadd.s32 v25, v53;
	[tilespmem:v32+s11+$0x0] =	vst.idx.add.f32.msk vm0, v1;
	v32 =	vand.u32 $0xC00, v55  }
0x185: {  	v33 =	vadd.f32 v48, v33;
	v57 =	vld [tilespmem:s19+$0x0];
	v30 =	vor.u32 v36, v30;
	v32 =	vadd.s32 v25, v32  }
0x186: {  	v35 =	vnsel vm8, $0x0, v46;
	v58 =	vld [tilespmem:s17+$0x430];
	v30 =	vor.u32 v26, v30;
	v32 =	vor.u32 v39, v32  }
0x187: {  	v50 =	vnsel vm15, $0x0, v63;
	v33 =	vadd.f32 v35, v33;
	v59 =	vld [tilespmem:s19+$0x10];
	v32 =	vor.u32 v26, v32  }
0x188: {  	vm15 =	vgt.s32 v27, v3;
	vm3 =	vmand vm3, vm1;
	v34 =	vnsel vm9, $0x0, v47;
	v60 =	vld [tilespmem:s19+$0x20]  }
0x189: {  	v19 =	vnsel vm10, $0x0, v49;
	v33 =	vadd.f32 v34, v33;
	v31 =	vnsel vm11, $0x1, v24;
	v63 =	vld [tilespmem:s19+$0x30]  }
0x18a: {  	v37 =	vnsel vm3, $0x0, v45;
	vm3 =	vgt.s32 v20, v11;
	v40 =	vld [tilespmem:s19+$0x40];
	v62 =	vadd.f32 $0.0e+00, v57  }
0x18b: {  	v19 =	vadd.f32 v19, v33;
	v61 =	vnsel vm3, $0x0, v54;
	vm3 =	vgt.u32 v31, v2;
	[tilespmem:v30+s11+$0x0] =	vst.idx.add.f32.msk vm0, v1  }
0x18c: {  	s18 =	sor.u32 s21, s18;
	v34 =	vnsel vm12, $0x0, v59;
	v33 =	vnsel vm3, $0x0, v62;
	vm3 =	vgt.s32 v20, v12;
	[tilespmem:v32+s11+$0x0] =	vst.idx.add.f32.msk vm0, v1  }
0x18d: {  	v41 =	vnsel vm3, $0x0, v56;
	v33 =	vadd.f32 v34, v33;
	vm3 =	vgt.s32 v24, v4;
	v42 =	vld [tilespmem:s18+$0x0]  }
0x18e: {  	v29 =	vadd.f32 v50, v29;
	vm9 =	vgt.s32 v24, v9;
	v46 =	vld [tilespmem:s19+$0x50];
	v43 =	vnsel vm3, $0x0, v60  }
0x18f: {  	vm10 =	vgt.s32 v24, v10;
	vm3 =	vgt.s32 v24, v5;
	v32 =	vadd.f32 v43, v33;
	v45 =	vld [tilespmem:s18+$0x10]  }
0x190: {  	vm8 =	vgt.s32 v24, v8;
	vm11 =	vgt.s32 v24, v11;
	v48 =	vld [tilespmem:s19+$0x60];
	v35 =	vnsel vm3, $0x0, v63  }
0x191: {  	v29 =	vadd.f32 v37, v29;
	vm3 =	vgt.s32 v24, v6;
	v47 =	vld [tilespmem:s18+$0x20];
	v32 =	vadd.f32 v35, v32  }
0x192: {  	v50 =	vld [tilespmem:s19+$0x70];
	v19 =	vadd.f32 v61, v19;
	v30 =	vnsel vm3, $0x0, v40;
	v34 =	vadd.f32 $0.0e+00, v42  }
0x193: {  	v44 =	vnsel vm13, $0x0, v58;
	vm3 =	vgt.u32 v38, v2;
	v49 =	vld [tilespmem:s18+$0x30];
	v30 =	vadd.f32 v30, v32  }
0x194: {  	v51 =	vld [tilespmem:s18+$0x40];
	v33 =	vnsel vm15, $0x0, v45;
	v34 =	vnsel vm3, $0x0, v34;
	vm3 =	vgt.s32 v24, v7  }
0x195: {  	v53 =	vld [tilespmem:s18+$0x50];
	v36 =	vnsel vm3, $0x0, v46;
	v33 =	vadd.f32 v33, v34;
	vm3 =	vgt.s32 v27, v4  }
0x196: {  	v52 =	vld [tilespmem:s19+$0x400];
	vm13 =	vgt.s32 v20, v14;
	v30 =	vadd.f32 v36, v30;
	v35 =	vnsel vm3, $0x0, v47  }
0x197: {  	v37 =	vnsel vm8, $0x0, v48;
	v55 =	vld [tilespmem:s18+$0x60];
	vm3 =	vgt.s32 v27, v5;
	v33 =	vadd.f32 v35, v33  }
0x198: {  	v54 =	vld [tilespmem:s19+$0x410];
	v32 =	vnsel vm3, $0x0, v49;
	vm3 =	vgt.s32 v27, v6;
	v30 =	vadd.f32 v37, v30  }
0x199: {  	v56 =	vld [tilespmem:s19+$0x420];
	v34 =	vnsel vm3, $0x0, v51;
	vm3 =	vgt.s32 v27, v7;
	v32 =	vadd.f32 v32, v33  }
0x19a: {  	vm12 =	vgt.s32 v24, v13;
	v39 =	vnsel vm9, $0x0, v50;
	v57 =	vld [tilespmem:s18+$0x70];
	v35 =	vnsel vm3, $0x0, v53  }
0x19b: {  	v61 =	vld [tilespmem:s18+$0x410];
	vm3 =	vgt.s32 v27, v8;
	v30 =	vadd.f32 v39, v30;
	v32 =	vadd.f32 v34, v32  }
0x19c: {  	v58 =	vld [tilespmem:s19+$0x430];
	v19 =	vadd.f32 v41, v19;
	v36 =	vnsel vm10, $0x0, v52;
	v33 =	vnsel vm3, $0x0, v55  }
0x19d: {  	v59 =	vld [tilespmem:s18+$0x400];
	vm3 =	vgt.s32 v24, v12;
	v30 =	vadd.f32 v36, v30;
	v32 =	vadd.f32 v35, v32  }
0x19e: {  	v50 =	vcvt.s32.f32 v31;
	v37 =	vnsel vm11, $0x0, v54;
	v39 =	vnsel vm3, $0x0, v56  }
0x19f: {  	vm3 =	vgt.s32 v27, v9;
	v30 =	vadd.f32 v37, v30;
	v32 =	vadd.f32 v33, v32  }
0x1a0: {  	v60 =	vld [tilespmem:s17+$0x438];
	v19 =	vadd.f32 v44, v19;
	v43 =	vnsel vm14, $0x0, v61;
	v34 =	vnsel vm3, $0x0, v57  }
0x1a1: {  	v63 =	vld [tilespmem:s18+$0x420];
	vm3 =	vgt.s32 v27, v10;
	v30 =	vadd.f32 v39, v30;
	v32 =	vadd.f32 v34, v32  }
0x1a2: {  	v62 =	vld [tilespmem:s19+$0x438];
	v47 =	vcvt.s32.f32 v21;
	v36 =	vnsel vm12, $0x0, v58;
	v40 =	vnsel vm3, $0x0, v59  }
0x1a3: {  	v41 =	vld [tilespmem:s18+$0x430];
	vm15 =	vgt.s32 v27, v12;
	v36 =	vadd.f32 v36, v30;
	v30 =	vadd.f32 v40, v32  }
0x1a4: {  	v49 =	vcvt.s32.f32 v28;
	(erf) = vrcp.f32 v47;
	vm3 =	vmand vm13, vm1  }
0x1a5: {  	v44 =	vld [tilespmem:s18+$0x438];
	v42 =	vnsel vm3, $0x0, v60;
	vm3 =	vgt.s32 v24, v14;
	v24 =	vadd.f32 v43, v30  }
0x1a6: {  	(xrf2) =	vadd.scan.msk.f32 $0xffff, v29;
	vm3 =	vmand vm3, vm1;
	v19 =	vadd.f32 v42, v19;
	v34 =	vnsel vm15, $0x0, v63  }
0x1a7: {  	v45 =	vnsel vm3, $0x0, v62;
	vm3 =	vgt.s32 v27, v13;
	v24 =	vadd.f32 v34, v24  }
0x1a8: {  	v51 =	vcvt.s32.f32 v38;
	v46 =	vnsel vm3, $0x0, v41;
	vm3 =	vgt.s32 v27, v14  }
0x1a9: {  	(erf) = vrcp.f32 v49;
	(xrf2) =	vadd.scan.msk.f32 $0xffff, v19;
	vm3 =	vmand vm3, vm1;
	v19 =	vadd.f32 v46, v24  }
0x1aa: {  	(erf) = vrcp.f32 v50;
	v48 =	vnsel vm3, $0x0, v44;
	v20 =	vadd.f32 v45, v36  }
0x1ab: {  	(erf) = vrcp.f32 v51;
	v19 =	vadd.f32 v48, v19  }
0x1ac: {  	(xrf2) =	vadd.scan.msk.f32 $0xffff, v20  }
0x1ad: {  	(xrf2) =	vadd.scan.msk.f32 $0xffff, v19;
	_ =	sdelay $0x2  }
0x1ae: {  	v15 =	vor.u32 v16, v15;
	v52, _, _ =	vpop (xrf2)  }
0x1af: {  	v15 =	vor.u32 $0x2C, v15;
	v55 =	vpop (erf)  }
0x1b0: {  	v15 =	vadd.s32 $0x800, v15;
	v17 =	vor.u32 v18, v17;
	v57 =	vpop (erf)  }
0x1b1: {  	v17 =	vadd.s32 $0x82C, v17;
	v56 =	vor.u32 v23, v22;
	v59 =	vpop (erf)  }
0x1b2: {  	v21 =	vadd.s32 $0x82C, v56;
	v58 =	vor.u32 v26, v25;
	v62 =	vpop (erf)  }
0x1b3: {  	p0 =	slt.u32 s16, $0x1C;
	v60 =	vadd.s32 $0x82C, v58;
	v18 =	vmul.f32 v52, v55;
	v53, _, _ =	vpop (xrf2)  }
.Ltmp0:
0x1b4: {  	v16 =	vmul.f32 v53, v57;
	v54, _, _ =	vpop (xrf2);
	(pc) =	sbr.rel @p0 .LBB2_2-.Ltmp0, $4  }
0x1b5: {  	[tilespmem:v15+s11+$0x0] =	vst.idx.add.f32.msk vm2, v18;
	v15 =	vmul.f32 v54, v59;
	v61, _, _ =	vpop (xrf2)  }
0x1b6: {  	[tilespmem:v17+s11+$0x0] =	vst.idx.add.f32.msk vm2, v16;
	v63 =	vmul.f32 v61, v62  }
0x1b7: {  	[tilespmem:v21+s11+$0x0] =	vst.idx.add.f32.msk vm2, v15  }
0x1b8: {  	s15 =	sadd.s32 $0x200, s15;
	s16 =	sadd.s32 $0x4, s16;
	s14 =	sadd.s32 $0x200, s14;
	[tilespmem:v60+s11+$0x0] =	vst.idx.add.f32.msk vm2, v63  }
0x1b9: {  	s13 =	sadd.s32 $0x1, s13  }
0x1ba: {  	p0 =	sne.s32 s13, s7  }
.Ltmp1:
0x1bb: {  	_ = 	snop;
	(pc) =	sbr.rel @p0 .LBB2_1-.Ltmp1, $4  }
0x1bc: {  	[hbm4b:s6+s2] =	stream.linear.scatter [tilespmem:s11], [sflag:$0x2], $0x3000, $0x38;
	[tilespmem:$0x6080] =	vst v63  }
0x1bd: {  	_ =	swait.ge [sflag:s12], $0x3000  }
0x1be: {  	[sflag:s12] =	ssyncset.done $0x0  }
0x1bf: {  	[sflag:s12] =	ssyncadd.s32 $0xFFFFD000  }
0x1c0: {  	_ =	sfence.sel $0x180000  }
0x1c1: {  	[bflag:$0x0] =	sbarrier.arrive $0xFFFF  }
0x1c2: {  	p0 =	sne.s32 s0, $0x0;
	_ =	strace $0x90000047  }
0x1c3: {  	s0 =	sadd.s32 @!p0 $0x100000, s1;
	[bflag:$0x2] =	sbarrier.arrive $0xFFFF  }
0x1c4: {  	[sflag:s0] =	ssyncadd.tile.s32 @!p0 $0x1;
	_ =	shalt  }
.Lfunc_end2:
_tile_overlayer_lowered:
.L_overlay_start_2:
0x1c5: {  	(tag) =	ssettag $0x2  }
0x1c6: {  	s0 =	rddreg [dreg:$0x0];
	s2 =	stileid.u32  }
0x1c7: {  	s1 =	rddreg [dreg:$0x1];
	p0 =	sne.s32 s2, $0x0  }
0x1c8: {  	s3 =	rddreg [dreg:$0x2];
	[bflag:$0x3] =	sbarrier.arrive $0xFFFF;
	s2 =	simm.s32 @!p0 $0x1C02  }
0x1c9: {  	[timem:s3], [sflag:s2] =	dma.local @!p0 [hbm:s0], s1  }
0x1ca: {  	s0 =	simm.s32 @!p0 $0x2  }
0x1cb: {  	_ =	swait.ge @!p0 [sflag:s0], s1  }
0x1cc: {  	s1 =	ssub.s32 @!p0 $0x0, s1;
	[sflag:s0] =	ssyncset.done @!p0 $0x0  }
0x1cd: {  	[sflag:s0] =	ssyncadd.s32 @!p0 s1  }
0x1ce: {  	[bflag:$0x3] =	sbarrier.arrive $0xFFFF  }
0x1cf: {  	_ =	shalt  }

</sc_bundles>
